<compile_context>
chip_gen: v7x
topology: tpu7x:2x2x1
jax: 0.10.2.dev20260603
libtpu: 0.0.44.dev20260713+nightly
codegen_flags: <defaults>
</compile_context>

<pallas_src>
import functools
import jax
import jax.numpy as jnp
from jax import lax
from jax.experimental import pallas as pl
from jax.experimental.pallas import tpu as pltpu
from jax.experimental.pallas import tpu_sc as plsc
from jax._src.pallas import mpmd as _mpmd

EMB = 1000
LANES = 16
NC = 2
NS = 16
NW = NC * NS

ZCHUNK = 8000


def _zero_body(out_ref, buf, sem):
    nchunks = out_ref.shape[0] // ZCHUNK
    buf[:, :] = jnp.zeros((ZCHUNK, 128), jnp.float32)
    for i in range(nchunks):
        pltpu.make_async_copy(
            buf, out_ref.at[pl.ds(i * ZCHUNK, ZCHUNK), :], sem
        ).start()
    for i in range(nchunks):
        pltpu.make_async_copy(
            buf, out_ref.at[pl.ds(i * ZCHUNK, ZCHUNK), :], sem
        ).wait()


def _zero_fill(batch):
    return pl.pallas_call(
        _zero_body,
        out_specs=pl.BlockSpec(memory_space=pl.ANY),
        out_shape=jax.ShapeDtypeStruct((batch * EMB // 128, 128), jnp.float32),
        scratch_shapes=[
            pltpu.VMEM((ZCHUNK, 128), jnp.float32),
            pltpu.SemaphoreType.DMA,
        ],
    )()


def _scatter_body(labels_hbm, flat_in, flat_out, labels_v, pos_v, ones_v, sem):
    del flat_in
    rows_per_w = labels_hbm.shape[0] // NW
    wid = lax.axis_index("s") * NC + lax.axis_index("c")
    base = wid * rows_per_w
    pltpu.sync_copy(labels_hbm.at[pl.ds(base, rows_per_w)], labels_v)
    lane = lax.iota(jnp.int32, LANES)
    for j in range(rows_per_w // LANES):
        b = base + j * LANES + lane
        e = labels_v[pl.ds(j * LANES, LANES)]
        pos = (
            (e >> 3) * 131072
            + (b >> 7) * 1024
            + ((e & 7) << 7)
            + (b & 127)
        )
        pos_v[pl.ds(j * LANES, LANES)] = pos
        ones_v[pl.ds(j * LANES, LANES)] = jnp.full((LANES,), 1.0, jnp.float32)
    pltpu.async_copy(ones_v, flat_out.at[pos_v], sem).wait()


def _sc_scatter(labels, flat):
    rows_per_w = labels.shape[0] // NW
    mesh = plsc.VectorSubcoreMesh(core_axis_name="c", subcore_axis_name="s")
    return _mpmd._mpmd_map(
        [(mesh, _scatter_body)],
        jax.ShapeDtypeStruct(flat.shape, flat.dtype),
        input_output_aliases={1: 0},
        scratch_types=[
            pltpu.VMEM((rows_per_w,), jnp.int32),
            pltpu.VMEM((rows_per_w,), jnp.int32),
            pltpu.VMEM((rows_per_w,), jnp.float32),
            pltpu.SemaphoreType.DMA,
        ],
    )(labels, flat)


def kernel(labels):
    batch = labels.shape[0]
    flat = _zero_fill(batch).reshape(batch * EMB)
    out = _sc_scatter(labels.astype(jnp.int32), flat)
    return (
        out.reshape(EMB // 8, batch // 128, 8, 128)
        .transpose(1, 3, 0, 2)
        .reshape(batch, EMB)
    )

# --- scband reference (transcript-rebuilt; emitter-appended) ---
"""Pipeline reference for scband-ideal-one-hot-model-18708877541889 (READ-ONLY COPY).

The authoritative reference and input builder live on the scoring server;
editing this copy changes nothing except your own understanding.
"""

import jax, jax.numpy as jnp
import numpy as np

EMB_DIM = 1000
SHIFT = 0
BATCH = 16384

def setup_inputs(seed: int = 0) -> dict:
    key = jax.random.key(seed)
    labels = jax.random.randint(key, (BATCH,), 0, EMB_DIM, dtype=jnp.int64 if jax.config.jax_enable_x64 else jnp.int32)
    return {"labels": labels}

def reference(labels):
    # Faithful translation: torch.stack([one_hot(label + shift, emb_dim) for label in labels])
    # is equivalent to a vectorized one-hot over the batch dimension.
    shifted = labels + SHIFT
    embeddings = jax.nn.one_hot(shifted, EMB_DIM, dtype=jnp.float32)
    return embeddings

if __name__ == "__main__":
    import jax
    _d = setup_inputs()
    print(jax.jit(kernel)(*tuple(_d.values())))

</pallas_src>

<mosaic_0001>
#map = affine_map<(d0, d1) -> (0)>
module attributes {stable_mosaic.version = 14 : i64} {
  func.func @_scatter_body(%arg0: i32, %arg1: i32, %arg2: memref<16384xi32, #tpu.memory_space<hbm>>, %arg3: memref<16384000xf32, #tpu.memory_space<hbm>>, %arg4: memref<16384000xf32, #tpu.memory_space<hbm>>, %arg5: memref<512xi32, #tpu.memory_space<vmem>>, %arg6: memref<512xi32, #tpu.memory_space<vmem>>, %arg7: memref<512xf32, #tpu.memory_space<vmem>>, %arg8: memref<!tpu.dma_semaphore, #tpu.memory_space<semaphore_mem>>) attributes {dimension_semantics = [#tpu.dimension_semantics<core_parallel>, #tpu.dimension_semantics<subcore_parallel>], iteration_bounds = array<i64: 2, 16>, scalar_prefetch = 0 : i64, scratch_operands = 4 : i64, tpu.core_type = #tpu.core_type<sc_vector_subcore>, window_params = [{transform_indices = #map}, {transform_indices = #map}, {transform_indices = #map}]} {
    %mul3A = arith.constant 2 : i32
    %mul3A_0 = arith.muli %arg1, %mul3A : i32
    %add3A = arith.addi %mul3A_0, %arg0 : i32
    %mul3A_1 = arith.constant 512 : i32
    %mul3A_2 = arith.muli %add3A, %mul3A_1 : i32
    "tpu.region"() ({
      %run_scoped3A = tpu.sem_alloc : memref<!tpu.dma_semaphore, #tpu.memory_space<semaphore_mem>>
      %dma_start3A_1311 = tpu.memref_slice %arg2[%mul3A_2] : memref<16384xi32, #tpu.memory_space<hbm>> -> memref<512xi32, #tpu.memory_space<hbm>>
      %dma_start3A_1312 = tpu.memref_slice %arg2[%mul3A_2] : memref<16384xi32, #tpu.memory_space<hbm>> -> memref<512xi32, #tpu.memory_space<hbm>>
      tpu.enqueue_dma source(%dma_start3A_1312 : memref<512xi32, #tpu.memory_space<hbm>>) target(%arg5 : memref<512xi32, #tpu.memory_space<vmem>>) target_semaphore(%run_scoped3A : memref<!tpu.dma_semaphore, #tpu.memory_space<semaphore_mem>>)
      %dma_wait3A_1313 = tpu.memref_slice %arg2[%mul3A_2] : memref<16384xi32, #tpu.memory_space<hbm>> -> memref<512xi32, #tpu.memory_space<hbm>>
      %dma_wait3A_1314 = tpu.memref_slice %arg2[%mul3A_2] : memref<16384xi32, #tpu.memory_space<hbm>> -> memref<512xi32, #tpu.memory_space<hbm>>
      tpu.wait_dma2 semaphore(%run_scoped3A : memref<!tpu.dma_semaphore, #tpu.memory_space<semaphore_mem>>) src(%dma_wait3A_1314 : memref<512xi32, #tpu.memory_space<hbm>>) dst(%arg5 : memref<512xi32, #tpu.memory_space<vmem>>)
      tpu.yield
    }) : () -> ()
    %iota3A = tpu.iota {dimensions = array<i32: 0>} : vector<16xi32>
    %add3A_3 = arith.constant 0 : i32
    %add3A_4 = arith.addi %mul3A_2, %add3A_3 : i32
    %add3A_5 = vector.broadcast %add3A_4 : i32 to vector<16xi32>
    %add3A_6 = arith.addi %add3A_5, %iota3A : vector<16xi32>
    %get3A = arith.constant 0 : index
    %get3A_7 = tpu.vector_load %arg5[%get3A] {strides = array<i32>} : memref<512xi32, #tpu.memory_space<vmem>>, vector<16xi32>,
    %get3A_8 = vector.shape_cast %get3A_7 : vector<16xi32> to vector<16xi32>
    %shift_right_arithmetic3A = arith.constant 3 : i32
    %shift_right_arithmetic3A_9 = vector.broadcast %shift_right_arithmetic3A : i32 to vector<16xi32>
    %shift_right_arithmetic3A_10 = arith.shrsi %get3A_8, %shift_right_arithmetic3A_9 : vector<16xi32>
    %mul3A_11 = arith.constant 131072 : i32
    %mul3A_12 = vector.broadcast %mul3A_11 : i32 to vector<16xi32>
    %mul3A_13 = arith.muli %shift_right_arithmetic3A_10, %mul3A_12 : vector<16xi32>
    %shift_right_arithmetic3A_14 = arith.constant 7 : i32
    %shift_right_arithmetic3A_15 = vector.broadcast %shift_right_arithmetic3A_14 : i32 to vector<16xi32>
    %shift_right_arithmetic3A_16 = arith.shrsi %add3A_6, %shift_right_arithmetic3A_15 : vector<16xi32>
    %mul3A_17 = arith.constant 1024 : i32
    %mul3A_18 = vector.broadcast %mul3A_17 : i32 to vector<16xi32>
    %mul3A_19 = arith.muli %shift_right_arithmetic3A_16, %mul3A_18 : vector<16xi32>
    %add3A_20 = arith.addi %mul3A_13, %mul3A_19 : vector<16xi32>
    %and3A = arith.constant 7 : i32
    %and3A_21 = vector.broadcast %and3A : i32 to vector<16xi32>
    %and3A_22 = arith.andi %get3A_8, %and3A_21 : vector<16xi32>
    %shift_left3A = arith.constant 7 : i32
    %shift_left3A_23 = vector.broadcast %shift_left3A : i32 to vector<16xi32>
    %shift_left3A_24 = arith.shli %and3A_22, %shift_left3A_23 : vector<16xi32>
    %add3A_25 = arith.addi %add3A_20, %shift_left3A_24 : vector<16xi32>
    %and3A_26 = arith.constant 127 : i32
    %and3A_27 = vector.broadcast %and3A_26 : i32 to vector<16xi32>
    %and3A_28 = arith.andi %add3A_6, %and3A_27 : vector<16xi32>
    %add3A_29 = arith.addi %add3A_25, %and3A_28 : vector<16xi32>
    %swap3A = arith.constant 0 : index
    %swap3A_30 = tpu.vector_load %arg6[%swap3A] {strides = array<i32>} : memref<512xi32, #tpu.memory_space<vmem>>, vector<16xi32>,
    %swap3A_31 = vector.shape_cast %swap3A_30 : vector<16xi32> to vector<16xi32>
    %swap3A_32 = vector.shape_cast %add3A_29 : vector<16xi32> to vector<16xi32>
    tpu.vector_store %arg6[%swap3A], %swap3A_32 {strides = array<i32>} : memref<512xi32, #tpu.memory_space<vmem>>, vector<16xi32>,
    %broadcast_in_dim3A = arith.constant 1.000000e+00 : f32
    %broadcast_in_dim3A_33 = vector.broadcast %broadcast_in_dim3A : f32 to vector<16xf32>
    %swap3A_34 = arith.constant 0 : index
    %swap3A_35 = tpu.vector_load %arg7[%swap3A_34] {strides = array<i32>} : memref<512xf32, #tpu.memory_space<vmem>>, vector<16xf32>,
    %swap3A_36 = vector.shape_cast %swap3A_35 : vector<16xf32> to vector<16xf32>
    %swap3A_37 = vector.shape_cast %broadcast_in_dim3A_33 : vector<16xf32> to vector<16xf32>
    tpu.vector_store %arg7[%swap3A_34], %swap3A_37 {strides = array<i32>} : memref<512xf32, #tpu.memory_space<vmem>>, vector<16xf32>,
    %add3A_38 = arith.constant 16 : i32
    %add3A_39 = arith.addi %mul3A_2, %add3A_38 : i32
    %add3A_40 = vector.broadcast %add3A_39 : i32 to vector<16xi32>
    %add3A_41 = arith.addi %add3A_40, %iota3A : vector<16xi32>
    %get3A_42 = arith.constant 16 : index
    %get3A_43 = tpu.vector_load %arg5[%get3A_42] {strides = array<i32>} : memref<512xi32, #tpu.memory_space<vmem>>, vector<16xi32>,
    %get3A_44 = vector.shape_cast %get3A_43 : vector<16xi32> to vector<16xi32>
    %shift_right_arithmetic3A_45 = arith.constant 3 : i32
    %shift_right_arithmetic3A_46 = vector.broadcast %shift_right_arithmetic3A_45 : i32 to vector<16xi32>
    %shift_right_arithmetic3A_47 = arith.shrsi %get3A_44, %shift_right_arithmetic3A_46 : vector<16xi32>
    %mul3A_48 = arith.constant 131072 : i32
    %mul3A_49 = vector.broadcast %mul3A_48 : i32 to vector<16xi32>
    %mul3A_50 = arith.muli %shift_right_arithmetic3A_47, %mul3A_49 : vector<16xi32>
    %shift_right_arithmetic3A_51 = arith.constant 7 : i32
    %shift_right_arithmetic3A_52 = vector.broadcast %shift_right_arithmetic3A_51 : i32 to vector<16xi32>
    %shift_right_arithmetic3A_53 = arith.shrsi %add3A_41, %shift_right_arithmetic3A_52 : vector<16xi32>
    %mul3A_54 = arith.constant 1024 : i32
    %mul3A_55 = vector.broadcast %mul3A_54 : i32 to vector<16xi32>
    %mul3A_56 = arith.muli %shift_right_arithmetic3A_53, %mul3A_55 : vector<16xi32>
    %add3A_57 = arith.addi %mul3A_50, %mul3A_56 : vector<16xi32>
    %and3A_58 = arith.constant 7 : i32
    %and3A_59 = vector.broadcast %and3A_58 : i32 to vector<16xi32>
    %and3A_60 = arith.andi %get3A_44, %and3A_59 : vector<16xi32>
    %shift_left3A_61 = arith.constant 7 : i32
    %shift_left3A_62 = vector.broadcast %shift_left3A_61 : i32 to vector<16xi32>
    %shift_left3A_63 = arith.shli %and3A_60, %shift_left3A_62 : vector<16xi32>
    %add3A_64 = arith.addi %add3A_57, %shift_left3A_63 : vector<16xi32>
    %and3A_65 = arith.constant 127 : i32
    %and3A_66 = vector.broadcast %and3A_65 : i32 to vector<16xi32>
    %and3A_67 = arith.andi %add3A_41, %and3A_66 : vector<16xi32>
    %add3A_68 = arith.addi %add3A_64, %and3A_67 : vector<16xi32>
    %swap3A_69 = arith.constant 16 : index
    %swap3A_70 = tpu.vector_load %arg6[%swap3A_69] {strides = array<i32>} : memref<512xi32, #tpu.memory_space<vmem>>, vector<16xi32>,
    %swap3A_71 = vector.shape_cast %swap3A_70 : vector<16xi32> to vector<16xi32>
    %swap3A_72 = vector.shape_cast %add3A_68 : vector<16xi32> to vector<16xi32>
    tpu.vector_store %arg6[%swap3A_69], %swap3A_72 {strides = array<i32>} : memref<512xi32, #tpu.memory_space<vmem>>, vector<16xi32>,
    %broadcast_in_dim3A_73 = arith.constant 1.000000e+00 : f32
    %broadcast_in_dim3A_74 = vector.broadcast %broadcast_in_dim3A_73 : f32 to vector<16xf32>
    %swap3A_75 = arith.constant 16 : index
    %swap3A_76 = tpu.vector_load %arg7[%swap3A_75] {strides = array<i32>} : memref<512xf32, #tpu.memory_space<vmem>>, vector<16xf32>,
    %swap3A_77 = vector.shape_cast %swap3A_76 : vector<16xf32> to vector<16xf32>
    %swap3A_78 = vector.shape_cast %broadcast_in_dim3A_74 : vector<16xf32> to vector<16xf32>
    tpu.vector_store %arg7[%swap3A_75], %swap3A_78 {strides = array<i32>} : memref<512xf32, #tpu.memory_space<vmem>>, vector<16xf32>,
    %add3A_79 = arith.constant 32 : i32
    %add3A_80 = arith.addi %mul3A_2, %add3A_79 : i32
    %add3A_81 = vector.broadcast %add3A_80 : i32 to vector<16xi32>
    %add3A_82 = arith.addi %add3A_81, %iota3A : vector<16xi32>
    %get3A_83 = arith.constant 32 : index
    %get3A_84 = tpu.vector_load %arg5[%get3A_83] {strides = array<i32>} : memref<512xi32, #tpu.memory_space<vmem>>, vector<16xi32>,
    %get3A_85 = vector.shape_cast %get3A_84 : vector<16xi32> to vector<16xi32>
    %shift_right_arithmetic3A_86 = arith.constant 3 : i32
    %shift_right_arithmetic3A_87 = vector.broadcast %shift_right_arithmetic3A_86 : i32 to vector<16xi32>
    %shift_right_arithmetic3A_88 = arith.shrsi %get3A_85, %shift_right_arithmetic3A_87 : vector<16xi32>
    %mul3A_89 = arith.constant 131072 : i32
    %mul3A_90 = vector.broadcast %mul3A_89 : i32 to vector<16xi32>
    %mul3A_91 = arith.muli %shift_right_arithmetic3A_88, %mul3A_90 : vector<16xi32>
    %shift_right_arithmetic3A_92 = arith.constant 7 : i32
    %shift_right_arithmetic3A_93 = vector.broadcast %shift_right_arithmetic3A_92 : i32 to vector<16xi32>
    %shift_right_arithmetic3A_94 = arith.shrsi %add3A_82, %shift_right_arithmetic3A_93 : vector<16xi32>
    %mul3A_95 = arith.constant 1024 : i32
    %mul3A_96 = vector.broadcast %mul3A_95 : i32 to vector<16xi32>
    %mul3A_97 = arith.muli %shift_right_arithmetic3A_94, %mul3A_96 : vector<16xi32>
    %add3A_98 = arith.addi %mul3A_91, %mul3A_97 : vector<16xi32>
    %and3A_99 = arith.constant 7 : i32
    %and3A_100 = vector.broadcast %and3A_99 : i32 to vector<16xi32>
    %and3A_101 = arith.andi %get3A_85, %and3A_100 : vector<16xi32>
    %shift_left3A_102 = arith.constant 7 : i32
    %shift_left3A_103 = vector.broadcast %shift_left3A_102 : i32 to vector<16xi32>
    %shift_left3A_104 = arith.shli %and3A_101, %shift_left3A_103 : vector<16xi32>
    %add3A_105 = arith.addi %add3A_98, %shift_left3A_104 : vector<16xi32>
    %and3A_106 = arith.constant 127 : i32
    %and3A_107 = vector.broadcast %and3A_106 : i32 to vector<16xi32>
    %and3A_108 = arith.andi %add3A_82, %and3A_107 : vector<16xi32>
    %add3A_109 = arith.addi %add3A_105, %and3A_108 : vector<16xi32>
    %swap3A_110 = arith.constant 32 : index
    %swap3A_111 = tpu.vector_load %arg6[%swap3A_110] {strides = array<i32>} : memref<512xi32, #tpu.memory_space<vmem>>, vector<16xi32>,
    %swap3A_112 = vector.shape_cast %swap3A_111 : vector<16xi32> to vector<16xi32>
    %swap3A_113 = vector.shape_cast %add3A_109 : vector<16xi32> to vector<16xi32>
    tpu.vector_store %arg6[%swap3A_110], %swap3A_113 {strides = array<i32>} : memref<512xi32, #tpu.memory_space<vmem>>, vector<16xi32>,
    %broadcast_in_dim3A_114 = arith.constant 1.000000e+00 : f32
    %broadcast_in_dim3A_115 = vector.broadcast %broadcast_in_dim3A_114 : f32 to vector<16xf32>
    %swap3A_116 = arith.constant 32 : index
    %swap3A_117 = tpu.vector_load %arg7[%swap3A_116] {strides = array<i32>} : memref<512xf32, #tpu.memory_space<vmem>>, vector<16xf32>,
    %swap3A_118 = vector.shape_cast %swap3A_117 : vector<16xf32> to vector<16xf32>
    %swap3A_119 = vector.shape_cast %broadcast_in_dim3A_115 : vector<16xf32> to vector<16xf32>
    tpu.vector_store %arg7[%swap3A_116], %swap3A_119 {strides = array<i32>} : memref<512xf32, #tpu.memory_space<vmem>>, vector<16xf32>,
    %add3A_120 = arith.constant 48 : i32
    %add3A_121 = arith.addi %mul3A_2, %add3A_120 : i32
    %add3A_122 = vector.broadcast %add3A_121 : i32 to vector<16xi32>
    %add3A_123 = arith.addi %add3A_122, %iota3A : vector<16xi32>
    %get3A_124 = arith.constant 48 : index
    %get3A_125 = tpu.vector_load %arg5[%get3A_124] {strides = array<i32>} : memref<512xi32, #tpu.memory_space<vmem>>, vector<16xi32>,
    %get3A_126 = vector.shape_cast %get3A_125 : vector<16xi32> to vector<16xi32>
    %shift_right_arithmetic3A_127 = arith.constant 3 : i32
    %shift_right_arithmetic3A_128 = vector.broadcast %shift_right_arithmetic3A_127 : i32 to vector<16xi32>
    %shift_right_arithmetic3A_129 = arith.shrsi %get3A_126, %shift_right_arithmetic3A_128 : vector<16xi32>
    %mul3A_130 = arith.constant 131072 : i32
    %mul3A_131 = vector.broadcast %mul3A_130 : i32 to vector<16xi32>
    %mul3A_132 = arith.muli %shift_right_arithmetic3A_129, %mul3A_131 : vector<16xi32>
    %shift_right_arithmetic3A_133 = arith.constant 7 : i32
    %shift_right_arithmetic3A_134 = vector.broadcast %shift_right_arithmetic3A_133 : i32 to vector<16xi32>
    %shift_right_arithmetic3A_135 = arith.shrsi %add3A_123, %shift_right_arithmetic3A_134 : vector<16xi32>
    %mul3A_136 = arith.constant 1024 : i32
    %mul3A_137 = vector.broadcast %mul3A_136 : i32 to vector<16xi32>
    %mul3A_138 = arith.muli %shift_right_arithmetic3A_135, %mul3A_137 : vector<16xi32>
    %add3A_139 = arith.addi %mul3A_132, %mul3A_138 : vector<16xi32>
    %and3A_140 = arith.constant 7 : i32
    %and3A_141 = vector.broadcast %and3A_140 : i32 to vector<16xi32>
    %and3A_142 = arith.andi %get3A_126, %and3A_141 : vector<16xi32>
    %shift_left3A_143 = arith.constant 7 : i32
    %shift_left3A_144 = vector.broadcast %shift_left3A_143 : i32 to vector<16xi32>
    %shift_left3A_145 = arith.shli %and3A_142, %shift_left3A_144 : vector<16xi32>
    %add3A_146 = arith.addi %add3A_139, %shift_left3A_145 : vector<16xi32>
    %and3A_147 = arith.constant 127 : i32
    %and3A_148 = vector.broadcast %and3A_147 : i32 to vector<16xi32>
    %and3A_149 = arith.andi %add3A_123, %and3A_148 : vector<16xi32>
    %add3A_150 = arith.addi %add3A_146, %and3A_149 : vector<16xi32>
    %swap3A_151 = arith.constant 48 : index
    %swap3A_152 = tpu.vector_load %arg6[%swap3A_151] {strides = array<i32>} : memref<512xi32, #tpu.memory_space<vmem>>, vector<16xi32>,
    %swap3A_153 = vector.shape_cast %swap3A_152 : vector<16xi32> to vector<16xi32>
    %swap3A_154 = vector.shape_cast %add3A_150 : vector<16xi32> to vector<16xi32>
    tpu.vector_store %arg6[%swap3A_151], %swap3A_154 {strides = array<i32>} : memref<512xi32, #tpu.memory_space<vmem>>, vector<16xi32>,
    %broadcast_in_dim3A_155 = arith.constant 1.000000e+00 : f32
    %broadcast_in_dim3A_156 = vector.broadcast %broadcast_in_dim3A_155 : f32 to vector<16xf32>
    %swap3A_157 = arith.constant 48 : index
    %swap3A_158 = tpu.vector_load %arg7[%swap3A_157] {strides = array<i32>} : memref<512xf32, #tpu.memory_space<vmem>>, vector<16xf32>,
    %swap3A_159 = vector.shape_cast %swap3A_158 : vector<16xf32> to vector<16xf32>
    %swap3A_160 = vector.shape_cast %broadcast_in_dim3A_156 : vector<16xf32> to vector<16xf32>
    tpu.vector_store %arg7[%swap3A_157], %swap3A_160 {strides = array<i32>} : memref<512xf32, #tpu.memory_space<vmem>>, vector<16xf32>,
    %add3A_161 = arith.constant 64 : i32
    %add3A_162 = arith.addi %mul3A_2, %add3A_161 : i32
    %add3A_163 = vector.broadcast %add3A_162 : i32 to vector<16xi32>
    %add3A_164 = arith.addi %add3A_163, %iota3A : vector<16xi32>
    %get3A_165 = arith.constant 64 : index
    %get3A_166 = tpu.vector_load %arg5[%get3A_165] {strides = array<i32>} : memref<512xi32, #tpu.memory_space<vmem>>, vector<16xi32>,
    %get3A_167 = vector.shape_cast %get3A_166 : vector<16xi32> to vector<16xi32>
    %shift_right_arithmetic3A_168 = arith.constant 3 : i32
    %shift_right_arithmetic3A_169 = vector.broadcast %shift_right_arithmetic3A_168 : i32 to vector<16xi32>
    %shift_right_arithmetic3A_170 = arith.shrsi %get3A_167, %shift_right_arithmetic3A_169 : vector<16xi32>
    %mul3A_171 = arith.constant 131072 : i32
    %mul3A_172 = vector.broadcast %mul3A_171 : i32 to vector<16xi32>
    %mul3A_173 = arith.muli %shift_right_arithmetic3A_170, %mul3A_172 : vector<16xi32>
    %shift_right_arithmetic3A_174 = arith.constant 7 : i32
    %shift_right_arithmetic3A_175 = vector.broadcast %shift_right_arithmetic3A_174 : i32 to vector<16xi32>
    %shift_right_arithmetic3A_176 = arith.shrsi %add3A_164, %shift_right_arithmetic3A_175 : vector<16xi32>
    %mul3A_177 = arith.constant 1024 : i32
    %mul3A_178 = vector.broadcast %mul3A_177 : i32 to vector<16xi32>
    %mul3A_179 = arith.muli %shift_right_arithmetic3A_176, %mul3A_178 : vector<16xi32>
    %add3A_180 = arith.addi %mul3A_173, %mul3A_179 : vector<16xi32>
    %and3A_181 = arith.constant 7 : i32
    %and3A_182 = vector.broadcast %and3A_181 : i32 to vector<16xi32>
    %and3A_183 = arith.andi %get3A_167, %and3A_182 : vector<16xi32>
    %shift_left3A_184 = arith.constant 7 : i32
    %shift_left3A_185 = vector.broadcast %shift_left3A_184 : i32 to vector<16xi32>
    %shift_left3A_186 = arith.shli %and3A_183, %shift_left3A_185 : vector<16xi32>
    %add3A_187 = arith.addi %add3A_180, %shift_left3A_186 : vector<16xi32>
    %and3A_188 = arith.constant 127 : i32
    %and3A_189 = vector.broadcast %and3A_188 : i32 to vector<16xi32>
    %and3A_190 = arith.andi %add3A_164, %and3A_189 : vector<16xi32>
    %add3A_191 = arith.addi %add3A_187, %and3A_190 : vector<16xi32>
    %swap3A_192 = arith.constant 64 : index
    %swap3A_193 = tpu.vector_load %arg6[%swap3A_192] {strides = array<i32>} : memref<512xi32, #tpu.memory_space<vmem>>, vector<16xi32>,
    %swap3A_194 = vector.shape_cast %swap3A_193 : vector<16xi32> to vector<16xi32>
    %swap3A_195 = vector.shape_cast %add3A_191 : vector<16xi32> to vector<16xi32>
    tpu.vector_store %arg6[%swap3A_192], %swap3A_195 {strides = array<i32>} : memref<512xi32, #tpu.memory_space<vmem>>, vector<16xi32>,
    %broadcast_in_dim3A_196 = arith.constant 1.000000e+00 : f32
    %broadcast_in_dim3A_197 = vector.broadcast %broadcast_in_dim3A_196 : f32 to vector<16xf32>
    %swap3A_198 = arith.constant 64 : index
    %swap3A_199 = tpu.vector_load %arg7[%swap3A_198] {strides = array<i32>} : memref<512xf32, #tpu.memory_space<vmem>>, vector<16xf32>,
    %swap3A_200 = vector.shape_cast %swap3A_199 : vector<16xf32> to vector<16xf32>
    %swap3A_201 = vector.shape_cast %broadcast_in_dim3A_197 : vector<16xf32> to vector<16xf32>
    tpu.vector_store %arg7[%swap3A_198], %swap3A_201 {strides = array<i32>} : memref<512xf32, #tpu.memory_space<vmem>>, vector<16xf32>,
    %add3A_202 = arith.constant 80 : i32
    %add3A_203 = arith.addi %mul3A_2, %add3A_202 : i32
    %add3A_204 = vector.broadcast %add3A_203 : i32 to vector<16xi32>
    %add3A_205 = arith.addi %add3A_204, %iota3A : vector<16xi32>
    %get3A_206 = arith.constant 80 : index
    %get3A_207 = tpu.vector_load %arg5[%get3A_206] {strides = array<i32>} : memref<512xi32, #tpu.memory_space<vmem>>, vector<16xi32>,
    %get3A_208 = vector.shape_cast %get3A_207 : vector<16xi32> to vector<16xi32>
    %shift_right_arithmetic3A_209 = arith.constant 3 : i32
    %shift_right_arithmetic3A_210 = vector.broadcast %shift_right_arithmetic3A_209 : i32 to vector<16xi32>
    %shift_right_arithmetic3A_211 = arith.shrsi %get3A_208, %shift_right_arithmetic3A_210 : vector<16xi32>
    %mul3A_212 = arith.constant 131072 : i32
    %mul3A_213 = vector.broadcast %mul3A_212 : i32 to vector<16xi32>
    %mul3A_214 = arith.muli %shift_right_arithmetic3A_211, %mul3A_213 : vector<16xi32>
    %shift_right_arithmetic3A_215 = arith.constant 7 : i32
    %shift_right_arithmetic3A_216 = vector.broadcast %shift_right_arithmetic3A_215 : i32 to vector<16xi32>
    %shift_right_arithmetic3A_217 = arith.shrsi %add3A_205, %shift_right_arithmetic3A_216 : vector<16xi32>
    %mul3A_218 = arith.constant 1024 : i32
    %mul3A_219 = vector.broadcast %mul3A_218 : i32 to vector<16xi32>
    %mul3A_220 = arith.muli %shift_right_arithmetic3A_217, %mul3A_219 : vector<16xi32>
    %add3A_221 = arith.addi %mul3A_214, %mul3A_220 : vector<16xi32>
    %and3A_222 = arith.constant 7 : i32
    %and3A_223 = vector.broadcast %and3A_222 : i32 to vector<16xi32>
    %and3A_224 = arith.andi %get3A_208, %and3A_223 : vector<16xi32>
    %shift_left3A_225 = arith.constant 7 : i32
    %shift_left3A_226 = vector.broadcast %shift_left3A_225 : i32 to vector<16xi32>
    %shift_left3A_227 = arith.shli %and3A_224, %shift_left3A_226 : vector<16xi32>
    %add3A_228 = arith.addi %add3A_221, %shift_left3A_227 : vector<16xi32>
    %and3A_229 = arith.constant 127 : i32
    %and3A_230 = vector.broadcast %and3A_229 : i32 to vector<16xi32>
    %and3A_231 = arith.andi %add3A_205, %and3A_230 : vector<16xi32>
    %add3A_232 = arith.addi %add3A_228, %and3A_231 : vector<16xi32>
    %swap3A_233 = arith.constant 80 : index
    %swap3A_234 = tpu.vector_load %arg6[%swap3A_233] {strides = array<i32>} : memref<512xi32, #tpu.memory_space<vmem>>, vector<16xi32>,
    %swap3A_235 = vector.shape_cast %swap3A_234 : vector<16xi32> to vector<16xi32>
    %swap3A_236 = vector.shape_cast %add3A_232 : vector<16xi32> to vector<16xi32>
    tpu.vector_store %arg6[%swap3A_233], %swap3A_236 {strides = array<i32>} : memref<512xi32, #tpu.memory_space<vmem>>, vector<16xi32>,
    %broadcast_in_dim3A_237 = arith.constant 1.000000e+00 : f32
    %broadcast_in_dim3A_238 = vector.broadcast %broadcast_in_dim3A_237 : f32 to vector<16xf32>
    %swap3A_239 = arith.constant 80 : index
    %swap3A_240 = tpu.vector_load %arg7[%swap3A_239] {strides = array<i32>} : memref<512xf32, #tpu.memory_space<vmem>>, vector<16xf32>,
    %swap3A_241 = vector.shape_cast %swap3A_240 : vector<16xf32> to vector<16xf32>
    %swap3A_242 = vector.shape_cast %broadcast_in_dim3A_238 : vector<16xf32> to vector<16xf32>
    tpu.vector_store %arg7[%swap3A_239], %swap3A_242 {strides = array<i32>} : memref<512xf32, #tpu.memory_space<vmem>>, vector<16xf32>,
    %add3A_243 = arith.constant 96 : i32
    %add3A_244 = arith.addi %mul3A_2, %add3A_243 : i32
    %add3A_245 = vector.broadcast %add3A_244 : i32 to vector<16xi32>
    %add3A_246 = arith.addi %add3A_245, %iota3A : vector<16xi32>
    %get3A_247 = arith.constant 96 : index
    %get3A_248 = tpu.vector_load %arg5[%get3A_247] {strides = array<i32>} : memref<512xi32, #tpu.memory_space<vmem>>, vector<16xi32>,
    %get3A_249 = vector.shape_cast %get3A_248 : vector<16xi32> to vector<16xi32>
    %shift_right_arithmetic3A_250 = arith.constant 3 : i32
    %shift_right_arithmetic3A_251 = vector.broadcast %shift_right_arithmetic3A_250 : i32 to vector<16xi32>
    %shift_right_arithmetic3A_252 = arith.shrsi %get3A_249, %shift_right_arithmetic3A_251 : vector<16xi32>
    %mul3A_253 = arith.constant 131072 : i32
    %mul3A_254 = vector.broadcast %mul3A_253 : i32 to vector<16xi32>
    %mul3A_255 = arith.muli %shift_right_arithmetic3A_252, %mul3A_254 : vector<16xi32>
    %shift_right_arithmetic3A_256 = arith.constant 7 : i32
    %shift_right_arithmetic3A_257 = vector.broadcast %shift_right_arithmetic3A_256 : i32 to vector<16xi32>
    %shift_right_arithmetic3A_258 = arith.shrsi %add3A_246, %shift_right_arithmetic3A_257 : vector<16xi32>
    %mul3A_259 = arith.constant 1024 : i32
    %mul3A_260 = vector.broadcast %mul3A_259 : i32 to vector<16xi32>
    %mul3A_261 = arith.muli %shift_right_arithmetic3A_258, %mul3A_260 : vector<16xi32>
    %add3A_262 = arith.addi %mul3A_255, %mul3A_261 : vector<16xi32>
    %and3A_263 = arith.constant 7 : i32
    %and3A_264 = vector.broadcast %and3A_263 : i32 to vector<16xi32>
    %and3A_265 = arith.andi %get3A_249, %and3A_264 : vector<16xi32>
    %shift_left3A_266 = arith.constant 7 : i32
    %shift_left3A_267 = vector.broadcast %shift_left3A_266 : i32 to vector<16xi32>
    %shift_left3A_268 = arith.shli %and3A_265, %shift_left3A_267 : vector<16xi32>
    %add3A_269 = arith.addi %add3A_262, %shift_left3A_268 : vector<16xi32>
    %and3A_270 = arith.constant 127 : i32
    %and3A_271 = vector.broadcast %and3A_270 : i32 to vector<16xi32>
    %and3A_272 = arith.andi %add3A_246, %and3A_271 : vector<16xi32>
    %add3A_273 = arith.addi %add3A_269, %and3A_272 : vector<16xi32>
    %swap3A_274 = arith.constant 96 : index
    %swap3A_275 = tpu.vector_load %arg6[%swap3A_274] {strides = array<i32>} : memref<512xi32, #tpu.memory_space<vmem>>, vector<16xi32>,
    %swap3A_276 = vector.shape_cast %swap3A_275 : vector<16xi32> to vector<16xi32>
    %swap3A_277 = vector.shape_cast %add3A_273 : vector<16xi32> to vector<16xi32>
    tpu.vector_store %arg6[%swap3A_274], %swap3A_277 {strides = array<i32>} : memref<512xi32, #tpu.memory_space<vmem>>, vector<16xi32>,
    %broadcast_in_dim3A_278 = arith.constant 1.000000e+00 : f32
    %broadcast_in_dim3A_279 = vector.broadcast %broadcast_in_dim3A_278 : f32 to vector<16xf32>
    %swap3A_280 = arith.constant 96 : index
    %swap3A_281 = tpu.vector_load %arg7[%swap3A_280] {strides = array<i32>} : memref<512xf32, #tpu.memory_space<vmem>>, vector<16xf32>,
    %swap3A_282 = vector.shape_cast %swap3A_281 : vector<16xf32> to vector<16xf32>
    %swap3A_283 = vector.shape_cast %broadcast_in_dim3A_279 : vector<16xf32> to vector<16xf32>
    tpu.vector_store %arg7[%swap3A_280], %swap3A_283 {strides = array<i32>} : memref<512xf32, #tpu.memory_space<vmem>>, vector<16xf32>,
    %add3A_284 = arith.constant 112 : i32
    %add3A_285 = arith.addi %mul3A_2, %add3A_284 : i32
    %add3A_286 = vector.broadcast %add3A_285 : i32 to vector<16xi32>
    %add3A_287 = arith.addi %add3A_286, %iota3A : vector<16xi32>
    %get3A_288 = arith.constant 112 : index
    %get3A_289 = tpu.vector_load %arg5[%get3A_288] {strides = array<i32>} : memref<512xi32, #tpu.memory_space<vmem>>, vector<16xi32>,
    %get3A_290 = vector.shape_cast %get3A_289 : vector<16xi32> to vector<16xi32>
    %shift_right_arithmetic3A_291 = arith.constant 3 : i32
    %shift_right_arithmetic3A_292 = vector.broadcast %shift_right_arithmetic3A_291 : i32 to vector<16xi32>
    %shift_right_arithmetic3A_293 = arith.shrsi %get3A_290, %shift_right_arithmetic3A_292 : vector<16xi32>
    %mul3A_294 = arith.constant 131072 : i32
    %mul3A_295 = vector.broadcast %mul3A_294 : i32 to vector<16xi32>
    %mul3A_296 = arith.muli %shift_right_arithmetic3A_293, %mul3A_295 : vector<16xi32>
    %shift_right_arithmetic3A_297 = arith.constant 7 : i32
    %shift_right_arithmetic3A_298 = vector.broadcast %shift_right_arithmetic3A_297 : i32 to vector<16xi32>
    %shift_right_arithmetic3A_299 = arith.shrsi %add3A_287, %shift_right_arithmetic3A_298 : vector<16xi32>
    %mul3A_300 = arith.constant 1024 : i32
    %mul3A_301 = vector.broadcast %mul3A_300 : i32 to vector<16xi32>
    %mul3A_302 = arith.muli %shift_right_arithmetic3A_299, %mul3A_301 : vector<16xi32>
    %add3A_303 = arith.addi %mul3A_296, %mul3A_302 : vector<16xi32>
    %and3A_304 = arith.constant 7 : i32
    %and3A_305 = vector.broadcast %and3A_304 : i32 to vector<16xi32>
    %and3A_306 = arith.andi %get3A_290, %and3A_305 : vector<16xi32>
    %shift_left3A_307 = arith.constant 7 : i32
    %shift_left3A_308 = vector.broadcast %shift_left3A_307 : i32 to vector<16xi32>
    %shift_left3A_309 = arith.shli %and3A_306, %shift_left3A_308 : vector<16xi32>
    %add3A_310 = arith.addi %add3A_303, %shift_left3A_309 : vector<16xi32>
    %and3A_311 = arith.constant 127 : i32
    %and3A_312 = vector.broadcast %and3A_311 : i32 to vector<16xi32>
    %and3A_313 = arith.andi %add3A_287, %and3A_312 : vector<16xi32>
    %add3A_314 = arith.addi %add3A_310, %and3A_313 : vector<16xi32>
    %swap3A_315 = arith.constant 112 : index
    %swap3A_316 = tpu.vector_load %arg6[%swap3A_315] {strides = array<i32>} : memref<512xi32, #tpu.memory_space<vmem>>, vector<16xi32>,
    %swap3A_317 = vector.shape_cast %swap3A_316 : vector<16xi32> to vector<16xi32>
    %swap3A_318 = vector.shape_cast %add3A_314 : vector<16xi32> to vector<16xi32>
    tpu.vector_store %arg6[%swap3A_315], %swap3A_318 {strides = array<i32>} : memref<512xi32, #tpu.memory_space<vmem>>, vector<16xi32>,
    %broadcast_in_dim3A_319 = arith.constant 1.000000e+00 : f32
    %broadcast_in_dim3A_320 = vector.broadcast %broadcast_in_dim3A_319 : f32 to vector<16xf32>
    %swap3A_321 = arith.constant 112 : index
    %swap3A_322 = tpu.vector_load %arg7[%swap3A_321] {strides = array<i32>} : memref<512xf32, #tpu.memory_space<vmem>>, vector<16xf32>,
    %swap3A_323 = vector.shape_cast %swap3A_322 : vector<16xf32> to vector<16xf32>
    %swap3A_324 = vector.shape_cast %broadcast_in_dim3A_320 : vector<16xf32> to vector<16xf32>
    tpu.vector_store %arg7[%swap3A_321], %swap3A_324 {strides = array<i32>} : memref<512xf32, #tpu.memory_space<vmem>>, vector<16xf32>,
    %add3A_325 = arith.constant 128 : i32
    %add3A_326 = arith.addi %mul3A_2, %add3A_325 : i32
    %add3A_327 = vector.broadcast %add3A_326 : i32 to vector<16xi32>
    %add3A_328 = arith.addi %add3A_327, %iota3A : vector<16xi32>
    %get3A_329 = arith.constant 128 : index
    %get3A_330 = tpu.vector_load %arg5[%get3A_329] {strides = array<i32>} : memref<512xi32, #tpu.memory_space<vmem>>, vector<16xi32>,
    %get3A_331 = vector.shape_cast %get3A_330 : vector<16xi32> to vector<16xi32>
    %shift_right_arithmetic3A_332 = arith.constant 3 : i32
    %shift_right_arithmetic3A_333 = vector.broadcast %shift_right_arithmetic3A_332 : i32 to vector<16xi32>
    %shift_right_arithmetic3A_334 = arith.shrsi %get3A_331, %shift_right_arithmetic3A_333 : vector<16xi32>
    %mul3A_335 = arith.constant 131072 : i32
    %mul3A_336 = vector.broadcast %mul3A_335 : i32 to vector<16xi32>
    %mul3A_337 = arith.muli %shift_right_arithmetic3A_334, %mul3A_336 : vector<16xi32>
    %shift_right_arithmetic3A_338 = arith.constant 7 : i32
    %shift_right_arithmetic3A_339 = vector.broadcast %shift_right_arithmetic3A_338 : i32 to vector<16xi32>
    %shift_right_arithmetic3A_340 = arith.shrsi %add3A_328, %shift_right_arithmetic3A_339 : vector<16xi32>
    %mul3A_341 = arith.constant 1024 : i32
    %mul3A_342 = vector.broadcast %mul3A_341 : i32 to vector<16xi32>
    %mul3A_343 = arith.muli %shift_right_arithmetic3A_340, %mul3A_342 : vector<16xi32>
    %add3A_344 = arith.addi %mul3A_337, %mul3A_343 : vector<16xi32>
    %and3A_345 = arith.constant 7 : i32
    %and3A_346 = vector.broadcast %and3A_345 : i32 to vector<16xi32>
    %and3A_347 = arith.andi %get3A_331, %and3A_346 : vector<16xi32>
    %shift_left3A_348 = arith.constant 7 : i32
    %shift_left3A_349 = vector.broadcast %shift_left3A_348 : i32 to vector<16xi32>
    %shift_left3A_350 = arith.shli %and3A_347, %shift_left3A_349 : vector<16xi32>
    %add3A_351 = arith.addi %add3A_344, %shift_left3A_350 : vector<16xi32>
    %and3A_352 = arith.constant 127 : i32
    %and3A_353 = vector.broadcast %and3A_352 : i32 to vector<16xi32>
    %and3A_354 = arith.andi %add3A_328, %and3A_353 : vector<16xi32>
    %add3A_355 = arith.addi %add3A_351, %and3A_354 : vector<16xi32>
    %swap3A_356 = arith.constant 128 : index
    %swap3A_357 = tpu.vector_load %arg6[%swap3A_356] {strides = array<i32>} : memref<512xi32, #tpu.memory_space<vmem>>, vector<16xi32>,
    %swap3A_358 = vector.shape_cast %swap3A_357 : vector<16xi32> to vector<16xi32>
    %swap3A_359 = vector.shape_cast %add3A_355 : vector<16xi32> to vector<16xi32>
    tpu.vector_store %arg6[%swap3A_356], %swap3A_359 {strides = array<i32>} : memref<512xi32, #tpu.memory_space<vmem>>, vector<16xi32>,
    %broadcast_in_dim3A_360 = arith.constant 1.000000e+00 : f32
    %broadcast_in_dim3A_361 = vector.broadcast %broadcast_in_dim3A_360 : f32 to vector<16xf32>
    %swap3A_362 = arith.constant 128 : index
    %swap3A_363 = tpu.vector_load %arg7[%swap3A_362] {strides = array<i32>} : memref<512xf32, #tpu.memory_space<vmem>>, vector<16xf32>,
    %swap3A_364 = vector.shape_cast %swap3A_363 : vector<16xf32> to vector<16xf32>
    %swap3A_365 = vector.shape_cast %broadcast_in_dim3A_361 : vector<16xf32> to vector<16xf32>
    tpu.vector_store %arg7[%swap3A_362], %swap3A_365 {strides = array<i32>} : memref<512xf32, #tpu.memory_space<vmem>>, vector<16xf32>,
    %add3A_366 = arith.constant 144 : i32
    %add3A_367 = arith.addi %mul3A_2, %add3A_366 : i32
    %add3A_368 = vector.broadcast %add3A_367 : i32 to vector<16xi32>
    %add3A_369 = arith.addi %add3A_368, %iota3A : vector<16xi32>
    %get3A_370 = arith.constant 144 : index
    %get3A_371 = tpu.vector_load %arg5[%get3A_370] {strides = array<i32>} : memref<512xi32, #tpu.memory_space<vmem>>, vector<16xi32>,
    %get3A_372 = vector.shape_cast %get3A_371 : vector<16xi32> to vector<16xi32>
    %shift_right_arithmetic3A_373 = arith.constant 3 : i32
    %shift_right_arithmetic3A_374 = vector.broadcast %shift_right_arithmetic3A_373 : i32 to vector<16xi32>
    %shift_right_arithmetic3A_375 = arith.shrsi %get3A_372, %shift_right_arithmetic3A_374 : vector<16xi32>
    %mul3A_376 = arith.constant 131072 : i32
    %mul3A_377 = vector.broadcast %mul3A_376 : i32 to vector<16xi32>
    %mul3A_378 = arith.muli %shift_right_arithmetic3A_375, %mul3A_377 : vector<16xi32>
    %shift_right_arithmetic3A_379 = arith.constant 7 : i32
    %shift_right_arithmetic3A_380 = vector.broadcast %shift_right_arithmetic3A_379 : i32 to vector<16xi32>
    %shift_right_arithmetic3A_381 = arith.shrsi %add3A_369, %shift_right_arithmetic3A_380 : vector<16xi32>
    %mul3A_382 = arith.constant 1024 : i32
    %mul3A_383 = vector.broadcast %mul3A_382 : i32 to vector<16xi32>
    %mul3A_384 = arith.muli %shift_right_arithmetic3A_381, %mul3A_383 : vector<16xi32>
    %add3A_385 = arith.addi %mul3A_378, %mul3A_384 : vector<16xi32>
    %and3A_386 = arith.constant 7 : i32
    %and3A_387 = vector.broadcast %and3A_386 : i32 to vector<16xi32>
    %and3A_388 = arith.andi %get3A_372, %and3A_387 : vector<16xi32>
    %shift_left3A_389 = arith.constant 7 : i32
    %shift_left3A_390 = vector.broadcast %shift_left3A_389 : i32 to vector<16xi32>
    %shift_left3A_391 = arith.shli %and3A_388, %shift_left3A_390 : vector<16xi32>
    %add3A_392 = arith.addi %add3A_385, %shift_left3A_391 : vector<16xi32>
    %and3A_393 = arith.constant 127 : i32
    %and3A_394 = vector.broadcast %and3A_393 : i32 to vector<16xi32>
    %and3A_395 = arith.andi %add3A_369, %and3A_394 : vector<16xi32>
    %add3A_396 = arith.addi %add3A_392, %and3A_395 : vector<16xi32>
    %swap3A_397 = arith.constant 144 : index
    %swap3A_398 = tpu.vector_load %arg6[%swap3A_397] {strides = array<i32>} : memref<512xi32, #tpu.memory_space<vmem>>, vector<16xi32>,
    %swap3A_399 = vector.shape_cast %swap3A_398 : vector<16xi32> to vector<16xi32>
    %swap3A_400 = vector.shape_cast %add3A_396 : vector<16xi32> to vector<16xi32>
    tpu.vector_store %arg6[%swap3A_397], %swap3A_400 {strides = array<i32>} : memref<512xi32, #tpu.memory_space<vmem>>, vector<16xi32>,
    %broadcast_in_dim3A_401 = arith.constant 1.000000e+00 : f32
    %broadcast_in_dim3A_402 = vector.broadcast %broadcast_in_dim3A_401 : f32 to vector<16xf32>
    %swap3A_403 = arith.constant 144 : index
    %swap3A_404 = tpu.vector_load %arg7[%swap3A_403] {strides = array<i32>} : memref<512xf32, #tpu.memory_space<vmem>>, vector<16xf32>,
    %swap3A_405 = vector.shape_cast %swap3A_404 : vector<16xf32> to vector<16xf32>
    %swap3A_406 = vector.shape_cast %broadcast_in_dim3A_402 : vector<16xf32> to vector<16xf32>
    tpu.vector_store %arg7[%swap3A_403], %swap3A_406 {strides = array<i32>} : memref<512xf32, #tpu.memory_space<vmem>>, vector<16xf32>,
    %add3A_407 = arith.constant 160 : i32
    %add3A_408 = arith.addi %mul3A_2, %add3A_407 : i32
    %add3A_409 = vector.broadcast %add3A_408 : i32 to vector<16xi32>
    %add3A_410 = arith.addi %add3A_409, %iota3A : vector<16xi32>
    %get3A_411 = arith.constant 160 : index
    %get3A_412 = tpu.vector_load %arg5[%get3A_411] {strides = array<i32>} : memref<512xi32, #tpu.memory_space<vmem>>, vector<16xi32>,
    %get3A_413 = vector.shape_cast %get3A_412 : vector<16xi32> to vector<16xi32>
    %shift_right_arithmetic3A_414 = arith.constant 3 : i32
    %shift_right_arithmetic3A_415 = vector.broadcast %shift_right_arithmetic3A_414 : i32 to vector<16xi32>
    %shift_right_arithmetic3A_416 = arith.shrsi %get3A_413, %shift_right_arithmetic3A_415 : vector<16xi32>
    %mul3A_417 = arith.constant 131072 : i32
    %mul3A_418 = vector.broadcast %mul3A_417 : i32 to vector<16xi32>
    %mul3A_419 = arith.muli %shift_right_arithmetic3A_416, %mul3A_418 : vector<16xi32>
    %shift_right_arithmetic3A_420 = arith.constant 7 : i32
    %shift_right_arithmetic3A_421 = vector.broadcast %shift_right_arithmetic3A_420 : i32 to vector<16xi32>
    %shift_right_arithmetic3A_422 = arith.shrsi %add3A_410, %shift_right_arithmetic3A_421 : vector<16xi32>
    %mul3A_423 = arith.constant 1024 : i32
    %mul3A_424 = vector.broadcast %mul3A_423 : i32 to vector<16xi32>
    %mul3A_425 = arith.muli %shift_right_arithmetic3A_422, %mul3A_424 : vector<16xi32>
    %add3A_426 = arith.addi %mul3A_419, %mul3A_425 : vector<16xi32>
    %and3A_427 = arith.constant 7 : i32
    %and3A_428 = vector.broadcast %and3A_427 : i32 to vector<16xi32>
    %and3A_429 = arith.andi %get3A_413, %and3A_428 : vector<16xi32>
    %shift_left3A_430 = arith.constant 7 : i32
    %shift_left3A_431 = vector.broadcast %shift_left3A_430 : i32 to vector<16xi32>
    %shift_left3A_432 = arith.shli %and3A_429, %shift_left3A_431 : vector<16xi32>
    %add3A_433 = arith.addi %add3A_426, %shift_left3A_432 : vector<16xi32>
    %and3A_434 = arith.constant 127 : i32
    %and3A_435 = vector.broadcast %and3A_434 : i32 to vector<16xi32>
    %and3A_436 = arith.andi %add3A_410, %and3A_435 : vector<16xi32>
    %add3A_437 = arith.addi %add3A_433, %and3A_436 : vector<16xi32>
    %swap3A_438 = arith.constant 160 : index
    %swap3A_439 = tpu.vector_load %arg6[%swap3A_438] {strides = array<i32>} : memref<512xi32, #tpu.memory_space<vmem>>, vector<16xi32>,
    %swap3A_440 = vector.shape_cast %swap3A_439 : vector<16xi32> to vector<16xi32>
    %swap3A_441 = vector.shape_cast %add3A_437 : vector<16xi32> to vector<16xi32>
    tpu.vector_store %arg6[%swap3A_438], %swap3A_441 {strides = array<i32>} : memref<512xi32, #tpu.memory_space<vmem>>, vector<16xi32>,
    %broadcast_in_dim3A_442 = arith.constant 1.000000e+00 : f32
    %broadcast_in_dim3A_443 = vector.broadcast %broadcast_in_dim3A_442 : f32 to vector<16xf32>
    %swap3A_444 = arith.constant 160 : index
    %swap3A_445 = tpu.vector_load %arg7[%swap3A_444] {strides = array<i32>} : memref<512xf32, #tpu.memory_space<vmem>>, vector<16xf32>,
    %swap3A_446 = vector.shape_cast %swap3A_445 : vector<16xf32> to vector<16xf32>
    %swap3A_447 = vector.shape_cast %broadcast_in_dim3A_443 : vector<16xf32> to vector<16xf32>
    tpu.vector_store %arg7[%swap3A_444], %swap3A_447 {strides = array<i32>} : memref<512xf32, #tpu.memory_space<vmem>>, vector<16xf32>,
    %add3A_448 = arith.constant 176 : i32
    %add3A_449 = arith.addi %mul3A_2, %add3A_448 : i32
    %add3A_450 = vector.broadcast %add3A_449 : i32 to vector<16xi32>
    %add3A_451 = arith.addi %add3A_450, %iota3A : vector<16xi32>
    %get3A_452 = arith.constant 176 : index
    %get3A_453 = tpu.vector_load %arg5[%get3A_452] {strides = array<i32>} : memref<512xi32, #tpu.memory_space<vmem>>, vector<16xi32>,
    %get3A_454 = vector.shape_cast %get3A_453 : vector<16xi32> to vector<16xi32>
    %shift_right_arithmetic3A_455 = arith.constant 3 : i32
    %shift_right_arithmetic3A_456 = vector.broadcast %shift_right_arithmetic3A_455 : i32 to vector<16xi32>
    %shift_right_arithmetic3A_457 = arith.shrsi %get3A_454, %shift_right_arithmetic3A_456 : vector<16xi32>
    %mul3A_458 = arith.constant 131072 : i32
    %mul3A_459 = vector.broadcast %mul3A_458 : i32 to vector<16xi32>
    %mul3A_460 = arith.muli %shift_right_arithmetic3A_457, %mul3A_459 : vector<16xi32>
    %shift_right_arithmetic3A_461 = arith.constant 7 : i32
    %shift_right_arithmetic3A_462 = vector.broadcast %shift_right_arithmetic3A_461 : i32 to vector<16xi32>
    %shift_right_arithmetic3A_463 = arith.shrsi %add3A_451, %shift_right_arithmetic3A_462 : vector<16xi32>
    %mul3A_464 = arith.constant 1024 : i32
    %mul3A_465 = vector.broadcast %mul3A_464 : i32 to vector<16xi32>
    %mul3A_466 = arith.muli %shift_right_arithmetic3A_463, %mul3A_465 : vector<16xi32>
    %add3A_467 = arith.addi %mul3A_460, %mul3A_466 : vector<16xi32>
    %and3A_468 = arith.constant 7 : i32
    %and3A_469 = vector.broadcast %and3A_468 : i32 to vector<16xi32>
    %and3A_470 = arith.andi %get3A_454, %and3A_469 : vector<16xi32>
    %shift_left3A_471 = arith.constant 7 : i32
    %shift_left3A_472 = vector.broadcast %shift_left3A_471 : i32 to vector<16xi32>
    %shift_left3A_473 = arith.shli %and3A_470, %shift_left3A_472 : vector<16xi32>
    %add3A_474 = arith.addi %add3A_467, %shift_left3A_473 : vector<16xi32>
    %and3A_475 = arith.constant 127 : i32
    %and3A_476 = vector.broadcast %and3A_475 : i32 to vector<16xi32>
    %and3A_477 = arith.andi %add3A_451, %and3A_476 : vector<16xi32>
    %add3A_478 = arith.addi %add3A_474, %and3A_477 : vector<16xi32>
    %swap3A_479 = arith.constant 176 : index
    %swap3A_480 = tpu.vector_load %arg6[%swap3A_479] {strides = array<i32>} : memref<512xi32, #tpu.memory_space<vmem>>, vector<16xi32>,
    %swap3A_481 = vector.shape_cast %swap3A_480 : vector<16xi32> to vector<16xi32>
    %swap3A_482 = vector.shape_cast %add3A_478 : vector<16xi32> to vector<16xi32>
    tpu.vector_store %arg6[%swap3A_479], %swap3A_482 {strides = array<i32>} : memref<512xi32, #tpu.memory_space<vmem>>, vector<16xi32>,
    %broadcast_in_dim3A_483 = arith.constant 1.000000e+00 : f32
    %broadcast_in_dim3A_484 = vector.broadcast %broadcast_in_dim3A_483 : f32 to vector<16xf32>
    %swap3A_485 = arith.constant 176 : index
    %swap3A_486 = tpu.vector_load %arg7[%swap3A_485] {strides = array<i32>} : memref<512xf32, #tpu.memory_space<vmem>>, vector<16xf32>,
    %swap3A_487 = vector.shape_cast %swap3A_486 : vector<16xf32> to vector<16xf32>
    %swap3A_488 = vector.shape_cast %broadcast_in_dim3A_484 : vector<16xf32> to vector<16xf32>
    tpu.vector_store %arg7[%swap3A_485], %swap3A_488 {strides = array<i32>} : memref<512xf32, #tpu.memory_space<vmem>>, vector<16xf32>,
    %add3A_489 = arith.constant 192 : i32
    %add3A_490 = arith.addi %mul3A_2, %add3A_489 : i32
    %add3A_491 = vector.broadcast %add3A_490 : i32 to vector<16xi32>
    %add3A_492 = arith.addi %add3A_491, %iota3A : vector<16xi32>
    %get3A_493 = arith.constant 192 : index
    %get3A_494 = tpu.vector_load %arg5[%get3A_493] {strides = array<i32>} : memref<512xi32, #tpu.memory_space<vmem>>, vector<16xi32>,
    %get3A_495 = vector.shape_cast %get3A_494 : vector<16xi32> to vector<16xi32>
    %shift_right_arithmetic3A_496 = arith.constant 3 : i32
    %shift_right_arithmetic3A_497 = vector.broadcast %shift_right_arithmetic3A_496 : i32 to vector<16xi32>
    %shift_right_arithmetic3A_498 = arith.shrsi %get3A_495, %shift_right_arithmetic3A_497 : vector<16xi32>
    %mul3A_499 = arith.constant 131072 : i32
    %mul3A_500 = vector.broadcast %mul3A_499 : i32 to vector<16xi32>
    %mul3A_501 = arith.muli %shift_right_arithmetic3A_498, %mul3A_500 : vector<16xi32>
    %shift_right_arithmetic3A_502 = arith.constant 7 : i32
    %shift_right_arithmetic3A_503 = vector.broadcast %shift_right_arithmetic3A_502 : i32 to vector<16xi32>
    %shift_right_arithmetic3A_504 = arith.shrsi %add3A_492, %shift_right_arithmetic3A_503 : vector<16xi32>
    %mul3A_505 = arith.constant 1024 : i32
    %mul3A_506 = vector.broadcast %mul3A_505 : i32 to vector<16xi32>
    %mul3A_507 = arith.muli %shift_right_arithmetic3A_504, %mul3A_506 : vector<16xi32>
    %add3A_508 = arith.addi %mul3A_501, %mul3A_507 : vector<16xi32>
    %and3A_509 = arith.constant 7 : i32
    %and3A_510 = vector.broadcast %and3A_509 : i32 to vector<16xi32>
    %and3A_511 = arith.andi %get3A_495, %and3A_510 : vector<16xi32>
    %shift_left3A_512 = arith.constant 7 : i32
    %shift_left3A_513 = vector.broadcast %shift_left3A_512 : i32 to vector<16xi32>
    %shift_left3A_514 = arith.shli %and3A_511, %shift_left3A_513 : vector<16xi32>
    %add3A_515 = arith.addi %add3A_508, %shift_left3A_514 : vector<16xi32>
    %and3A_516 = arith.constant 127 : i32
    %and3A_517 = vector.broadcast %and3A_516 : i32 to vector<16xi32>
    %and3A_518 = arith.andi %add3A_492, %and3A_517 : vector<16xi32>
    %add3A_519 = arith.addi %add3A_515, %and3A_518 : vector<16xi32>
    %swap3A_520 = arith.constant 192 : index
    %swap3A_521 = tpu.vector_load %arg6[%swap3A_520] {strides = array<i32>} : memref<512xi32, #tpu.memory_space<vmem>>, vector<16xi32>,
    %swap3A_522 = vector.shape_cast %swap3A_521 : vector<16xi32> to vector<16xi32>
    %swap3A_523 = vector.shape_cast %add3A_519 : vector<16xi32> to vector<16xi32>
    tpu.vector_store %arg6[%swap3A_520], %swap3A_523 {strides = array<i32>} : memref<512xi32, #tpu.memory_space<vmem>>, vector<16xi32>,
    %broadcast_in_dim3A_524 = arith.constant 1.000000e+00 : f32
    %broadcast_in_dim3A_525 = vector.broadcast %broadcast_in_dim3A_524 : f32 to vector<16xf32>
    %swap3A_526 = arith.constant 192 : index
    %swap3A_527 = tpu.vector_load %arg7[%swap3A_526] {strides = array<i32>} : memref<512xf32, #tpu.memory_space<vmem>>, vector<16xf32>,
    %swap3A_528 = vector.shape_cast %swap3A_527 : vector<16xf32> to vector<16xf32>
    %swap3A_529 = vector.shape_cast %broadcast_in_dim3A_525 : vector<16xf32> to vector<16xf32>
    tpu.vector_store %arg7[%swap3A_526], %swap3A_529 {strides = array<i32>} : memref<512xf32, #tpu.memory_space<vmem>>, vector<16xf32>,
    %add3A_530 = arith.constant 208 : i32
    %add3A_531 = arith.addi %mul3A_2, %add3A_530 : i32
    %add3A_532 = vector.broadcast %add3A_531 : i32 to vector<16xi32>
    %add3A_533 = arith.addi %add3A_532, %iota3A : vector<16xi32>
    %get3A_534 = arith.constant 208 : index
    %get3A_535 = tpu.vector_load %arg5[%get3A_534] {strides = array<i32>} : memref<512xi32, #tpu.memory_space<vmem>>, vector<16xi32>,
    %get3A_536 = vector.shape_cast %get3A_535 : vector<16xi32> to vector<16xi32>
    %shift_right_arithmetic3A_537 = arith.constant 3 : i32
    %shift_right_arithmetic3A_538 = vector.broadcast %shift_right_arithmetic3A_537 : i32 to vector<16xi32>
    %shift_right_arithmetic3A_539 = arith.shrsi %get3A_536, %shift_right_arithmetic3A_538 : vector<16xi32>
    %mul3A_540 = arith.constant 131072 : i32
    %mul3A_541 = vector.broadcast %mul3A_540 : i32 to vector<16xi32>
    %mul3A_542 = arith.muli %shift_right_arithmetic3A_539, %mul3A_541 : vector<16xi32>
    %shift_right_arithmetic3A_543 = arith.constant 7 : i32
    %shift_right_arithmetic3A_544 = vector.broadcast %shift_right_arithmetic3A_543 : i32 to vector<16xi32>
    %shift_right_arithmetic3A_545 = arith.shrsi %add3A_533, %shift_right_arithmetic3A_544 : vector<16xi32>
    %mul3A_546 = arith.constant 1024 : i32
    %mul3A_547 = vector.broadcast %mul3A_546 : i32 to vector<16xi32>
    %mul3A_548 = arith.muli %shift_right_arithmetic3A_545, %mul3A_547 : vector<16xi32>
    %add3A_549 = arith.addi %mul3A_542, %mul3A_548 : vector<16xi32>
    %and3A_550 = arith.constant 7 : i32
    %and3A_551 = vector.broadcast %and3A_550 : i32 to vector<16xi32>
    %and3A_552 = arith.andi %get3A_536, %and3A_551 : vector<16xi32>
    %shift_left3A_553 = arith.constant 7 : i32
    %shift_left3A_554 = vector.broadcast %shift_left3A_553 : i32 to vector<16xi32>
    %shift_left3A_555 = arith.shli %and3A_552, %shift_left3A_554 : vector<16xi32>
    %add3A_556 = arith.addi %add3A_549, %shift_left3A_555 : vector<16xi32>
    %and3A_557 = arith.constant 127 : i32
    %and3A_558 = vector.broadcast %and3A_557 : i32 to vector<16xi32>
    %and3A_559 = arith.andi %add3A_533, %and3A_558 : vector<16xi32>
    %add3A_560 = arith.addi %add3A_556, %and3A_559 : vector<16xi32>
    %swap3A_561 = arith.constant 208 : index
    %swap3A_562 = tpu.vector_load %arg6[%swap3A_561] {strides = array<i32>} : memref<512xi32, #tpu.memory_space<vmem>>, vector<16xi32>,
    %swap3A_563 = vector.shape_cast %swap3A_562 : vector<16xi32> to vector<16xi32>
    %swap3A_564 = vector.shape_cast %add3A_560 : vector<16xi32> to vector<16xi32>
    tpu.vector_store %arg6[%swap3A_561], %swap3A_564 {strides = array<i32>} : memref<512xi32, #tpu.memory_space<vmem>>, vector<16xi32>,
    %broadcast_in_dim3A_565 = arith.constant 1.000000e+00 : f32
    %broadcast_in_dim3A_566 = vector.broadcast %broadcast_in_dim3A_565 : f32 to vector<16xf32>
    %swap3A_567 = arith.constant 208 : index
    %swap3A_568 = tpu.vector_load %arg7[%swap3A_567] {strides = array<i32>} : memref<512xf32, #tpu.memory_space<vmem>>, vector<16xf32>,
    %swap3A_569 = vector.shape_cast %swap3A_568 : vector<16xf32> to vector<16xf32>
    %swap3A_570 = vector.shape_cast %broadcast_in_dim3A_566 : vector<16xf32> to vector<16xf32>
    tpu.vector_store %arg7[%swap3A_567], %swap3A_570 {strides = array<i32>} : memref<512xf32, #tpu.memory_space<vmem>>, vector<16xf32>,
    %add3A_571 = arith.constant 224 : i32
    %add3A_572 = arith.addi %mul3A_2, %add3A_571 : i32
    %add3A_573 = vector.broadcast %add3A_572 : i32 to vector<16xi32>
    %add3A_574 = arith.addi %add3A_573, %iota3A : vector<16xi32>
    %get3A_575 = arith.constant 224 : index
    %get3A_576 = tpu.vector_load %arg5[%get3A_575] {strides = array<i32>} : memref<512xi32, #tpu.memory_space<vmem>>, vector<16xi32>,
    %get3A_577 = vector.shape_cast %get3A_576 : vector<16xi32> to vector<16xi32>
    %shift_right_arithmetic3A_578 = arith.constant 3 : i32
    %shift_right_arithmetic3A_579 = vector.broadcast %shift_right_arithmetic3A_578 : i32 to vector<16xi32>
    %shift_right_arithmetic3A_580 = arith.shrsi %get3A_577, %shift_right_arithmetic3A_579 : vector<16xi32>
    %mul3A_581 = arith.constant 131072 : i32
    %mul3A_582 = vector.broadcast %mul3A_581 : i32 to vector<16xi32>
    %mul3A_583 = arith.muli %shift_right_arithmetic3A_580, %mul3A_582 : vector<16xi32>
    %shift_right_arithmetic3A_584 = arith.constant 7 : i32
    %shift_right_arithmetic3A_585 = vector.broadcast %shift_right_arithmetic3A_584 : i32 to vector<16xi32>
    %shift_right_arithmetic3A_586 = arith.shrsi %add3A_574, %shift_right_arithmetic3A_585 : vector<16xi32>
    %mul3A_587 = arith.constant 1024 : i32
    %mul3A_588 = vector.broadcast %mul3A_587 : i32 to vector<16xi32>
    %mul3A_589 = arith.muli %shift_right_arithmetic3A_586, %mul3A_588 : vector<16xi32>
    %add3A_590 = arith.addi %mul3A_583, %mul3A_589 : vector<16xi32>
    %and3A_591 = arith.constant 7 : i32
    %and3A_592 = vector.broadcast %and3A_591 : i32 to vector<16xi32>
    %and3A_593 = arith.andi %get3A_577, %and3A_592 : vector<16xi32>
    %shift_left3A_594 = arith.constant 7 : i32
    %shift_left3A_595 = vector.broadcast %shift_left3A_594 : i32 to vector<16xi32>
    %shift_left3A_596 = arith.shli %and3A_593, %shift_left3A_595 : vector<16xi32>
    %add3A_597 = arith.addi %add3A_590, %shift_left3A_596 : vector<16xi32>
    %and3A_598 = arith.constant 127 : i32
    %and3A_599 = vector.broadcast %and3A_598 : i32 to vector<16xi32>
    %and3A_600 = arith.andi %add3A_574, %and3A_599 : vector<16xi32>
    %add3A_601 = arith.addi %add3A_597, %and3A_600 : vector<16xi32>
    %swap3A_602 = arith.constant 224 : index
    %swap3A_603 = tpu.vector_load %arg6[%swap3A_602] {strides = array<i32>} : memref<512xi32, #tpu.memory_space<vmem>>, vector<16xi32>,
    %swap3A_604 = vector.shape_cast %swap3A_603 : vector<16xi32> to vector<16xi32>
    %swap3A_605 = vector.shape_cast %add3A_601 : vector<16xi32> to vector<16xi32>
    tpu.vector_store %arg6[%swap3A_602], %swap3A_605 {strides = array<i32>} : memref<512xi32, #tpu.memory_space<vmem>>, vector<16xi32>,
    %broadcast_in_dim3A_606 = arith.constant 1.000000e+00 : f32
    %broadcast_in_dim3A_607 = vector.broadcast %broadcast_in_dim3A_606 : f32 to vector<16xf32>
    %swap3A_608 = arith.constant 224 : index
    %swap3A_609 = tpu.vector_load %arg7[%swap3A_608] {strides = array<i32>} : memref<512xf32, #tpu.memory_space<vmem>>, vector<16xf32>,
    %swap3A_610 = vector.shape_cast %swap3A_609 : vector<16xf32> to vector<16xf32>
    %swap3A_611 = vector.shape_cast %broadcast_in_dim3A_607 : vector<16xf32> to vector<16xf32>
    tpu.vector_store %arg7[%swap3A_608], %swap3A_611 {strides = array<i32>} : memref<512xf32, #tpu.memory_space<vmem>>, vector<16xf32>,
    %add3A_612 = arith.constant 240 : i32
    %add3A_613 = arith.addi %mul3A_2, %add3A_612 : i32
    %add3A_614 = vector.broadcast %add3A_613 : i32 to vector<16xi32>
    %add3A_615 = arith.addi %add3A_614, %iota3A : vector<16xi32>
    %get3A_616 = arith.constant 240 : index
    %get3A_617 = tpu.vector_load %arg5[%get3A_616] {strides = array<i32>} : memref<512xi32, #tpu.memory_space<vmem>>, vector<16xi32>,
    %get3A_618 = vector.shape_cast %get3A_617 : vector<16xi32> to vector<16xi32>
    %shift_right_arithmetic3A_619 = arith.constant 3 : i32
    %shift_right_arithmetic3A_620 = vector.broadcast %shift_right_arithmetic3A_619 : i32 to vector<16xi32>
    %shift_right_arithmetic3A_621 = arith.shrsi %get3A_618, %shift_right_arithmetic3A_620 : vector<16xi32>
    %mul3A_622 = arith.constant 131072 : i32
    %mul3A_623 = vector.broadcast %mul3A_622 : i32 to vector<16xi32>
    %mul3A_624 = arith.muli %shift_right_arithmetic3A_621, %mul3A_623 : vector<16xi32>
    %shift_right_arithmetic3A_625 = arith.constant 7 : i32
    %shift_right_arithmetic3A_626 = vector.broadcast %shift_right_arithmetic3A_625 : i32 to vector<16xi32>
    %shift_right_arithmetic3A_627 = arith.shrsi %add3A_615, %shift_right_arithmetic3A_626 : vector<16xi32>
    %mul3A_628 = arith.constant 1024 : i32
    %mul3A_629 = vector.broadcast %mul3A_628 : i32 to vector<16xi32>
    %mul3A_630 = arith.muli %shift_right_arithmetic3A_627, %mul3A_629 : vector<16xi32>
    %add3A_631 = arith.addi %mul3A_624, %mul3A_630 : vector<16xi32>
    %and3A_632 = arith.constant 7 : i32
    %and3A_633 = vector.broadcast %and3A_632 : i32 to vector<16xi32>
    %and3A_634 = arith.andi %get3A_618, %and3A_633 : vector<16xi32>
    %shift_left3A_635 = arith.constant 7 : i32
    %shift_left3A_636 = vector.broadcast %shift_left3A_635 : i32 to vector<16xi32>
    %shift_left3A_637 = arith.shli %and3A_634, %shift_left3A_636 : vector<16xi32>
    %add3A_638 = arith.addi %add3A_631, %shift_left3A_637 : vector<16xi32>
    %and3A_639 = arith.constant 127 : i32
    %and3A_640 = vector.broadcast %and3A_639 : i32 to vector<16xi32>
    %and3A_641 = arith.andi %add3A_615, %and3A_640 : vector<16xi32>
    %add3A_642 = arith.addi %add3A_638, %and3A_641 : vector<16xi32>
    %swap3A_643 = arith.constant 240 : index
    %swap3A_644 = tpu.vector_load %arg6[%swap3A_643] {strides = array<i32>} : memref<512xi32, #tpu.memory_space<vmem>>, vector<16xi32>,
    %swap3A_645 = vector.shape_cast %swap3A_644 : vector<16xi32> to vector<16xi32>
    %swap3A_646 = vector.shape_cast %add3A_642 : vector<16xi32> to vector<16xi32>
    tpu.vector_store %arg6[%swap3A_643], %swap3A_646 {strides = array<i32>} : memref<512xi32, #tpu.memory_space<vmem>>, vector<16xi32>,
    %broadcast_in_dim3A_647 = arith.constant 1.000000e+00 : f32
    %broadcast_in_dim3A_648 = vector.broadcast %broadcast_in_dim3A_647 : f32 to vector<16xf32>
    %swap3A_649 = arith.constant 240 : index
    %swap3A_650 = tpu.vector_load %arg7[%swap3A_649] {strides = array<i32>} : memref<512xf32, #tpu.memory_space<vmem>>, vector<16xf32>,
    %swap3A_651 = vector.shape_cast %swap3A_650 : vector<16xf32> to vector<16xf32>
    %swap3A_652 = vector.shape_cast %broadcast_in_dim3A_648 : vector<16xf32> to vector<16xf32>
    tpu.vector_store %arg7[%swap3A_649], %swap3A_652 {strides = array<i32>} : memref<512xf32, #tpu.memory_space<vmem>>, vector<16xf32>,
    %add3A_653 = arith.constant 256 : i32
    %add3A_654 = arith.addi %mul3A_2, %add3A_653 : i32
    %add3A_655 = vector.broadcast %add3A_654 : i32 to vector<16xi32>
    %add3A_656 = arith.addi %add3A_655, %iota3A : vector<16xi32>
    %get3A_657 = arith.constant 256 : index
    %get3A_658 = tpu.vector_load %arg5[%get3A_657] {strides = array<i32>} : memref<512xi32, #tpu.memory_space<vmem>>, vector<16xi32>,
    %get3A_659 = vector.shape_cast %get3A_658 : vector<16xi32> to vector<16xi32>
    %shift_right_arithmetic3A_660 = arith.constant 3 : i32
    %shift_right_arithmetic3A_661 = vector.broadcast %shift_right_arithmetic3A_660 : i32 to vector<16xi32>
    %shift_right_arithmetic3A_662 = arith.shrsi %get3A_659, %shift_right_arithmetic3A_661 : vector<16xi32>
    %mul3A_663 = arith.constant 131072 : i32
    %mul3A_664 = vector.broadcast %mul3A_663 : i32 to vector<16xi32>
    %mul3A_665 = arith.muli %shift_right_arithmetic3A_662, %mul3A_664 : vector<16xi32>
    %shift_right_arithmetic3A_666 = arith.constant 7 : i32
    %shift_right_arithmetic3A_667 = vector.broadcast %shift_right_arithmetic3A_666 : i32 to vector<16xi32>
    %shift_right_arithmetic3A_668 = arith.shrsi %add3A_656, %shift_right_arithmetic3A_667 : vector<16xi32>
    %mul3A_669 = arith.constant 1024 : i32
    %mul3A_670 = vector.broadcast %mul3A_669 : i32 to vector<16xi32>
    %mul3A_671 = arith.muli %shift_right_arithmetic3A_668, %mul3A_670 : vector<16xi32>
    %add3A_672 = arith.addi %mul3A_665, %mul3A_671 : vector<16xi32>
    %and3A_673 = arith.constant 7 : i32
    %and3A_674 = vector.broadcast %and3A_673 : i32 to vector<16xi32>
    %and3A_675 = arith.andi %get3A_659, %and3A_674 : vector<16xi32>
    %shift_left3A_676 = arith.constant 7 : i32
    %shift_left3A_677 = vector.broadcast %shift_left3A_676 : i32 to vector<16xi32>
    %shift_left3A_678 = arith.shli %and3A_675, %shift_left3A_677 : vector<16xi32>
    %add3A_679 = arith.addi %add3A_672, %shift_left3A_678 : vector<16xi32>
    %and3A_680 = arith.constant 127 : i32
    %and3A_681 = vector.broadcast %and3A_680 : i32 to vector<16xi32>
    %and3A_682 = arith.andi %add3A_656, %and3A_681 : vector<16xi32>
    %add3A_683 = arith.addi %add3A_679, %and3A_682 : vector<16xi32>
    %swap3A_684 = arith.constant 256 : index
    %swap3A_685 = tpu.vector_load %arg6[%swap3A_684] {strides = array<i32>} : memref<512xi32, #tpu.memory_space<vmem>>, vector<16xi32>,
    %swap3A_686 = vector.shape_cast %swap3A_685 : vector<16xi32> to vector<16xi32>
    %swap3A_687 = vector.shape_cast %add3A_683 : vector<16xi32> to vector<16xi32>
    tpu.vector_store %arg6[%swap3A_684], %swap3A_687 {strides = array<i32>} : memref<512xi32, #tpu.memory_space<vmem>>, vector<16xi32>,
    %broadcast_in_dim3A_688 = arith.constant 1.000000e+00 : f32
    %broadcast_in_dim3A_689 = vector.broadcast %broadcast_in_dim3A_688 : f32 to vector<16xf32>
    %swap3A_690 = arith.constant 256 : index
    %swap3A_691 = tpu.vector_load %arg7[%swap3A_690] {strides = array<i32>} : memref<512xf32, #tpu.memory_space<vmem>>, vector<16xf32>,
    %swap3A_692 = vector.shape_cast %swap3A_691 : vector<16xf32> to vector<16xf32>
    %swap3A_693 = vector.shape_cast %broadcast_in_dim3A_689 : vector<16xf32> to vector<16xf32>
    tpu.vector_store %arg7[%swap3A_690], %swap3A_693 {strides = array<i32>} : memref<512xf32, #tpu.memory_space<vmem>>, vector<16xf32>,
    %add3A_694 = arith.constant 272 : i32
    %add3A_695 = arith.addi %mul3A_2, %add3A_694 : i32
    %add3A_696 = vector.broadcast %add3A_695 : i32 to vector<16xi32>
    %add3A_697 = arith.addi %add3A_696, %iota3A : vector<16xi32>
    %get3A_698 = arith.constant 272 : index
    %get3A_699 = tpu.vector_load %arg5[%get3A_698] {strides = array<i32>} : memref<512xi32, #tpu.memory_space<vmem>>, vector<16xi32>,
    %get3A_700 = vector.shape_cast %get3A_699 : vector<16xi32> to vector<16xi32>
    %shift_right_arithmetic3A_701 = arith.constant 3 : i32
    %shift_right_arithmetic3A_702 = vector.broadcast %shift_right_arithmetic3A_701 : i32 to vector<16xi32>
    %shift_right_arithmetic3A_703 = arith.shrsi %get3A_700, %shift_right_arithmetic3A_702 : vector<16xi32>
    %mul3A_704 = arith.constant 131072 : i32
    %mul3A_705 = vector.broadcast %mul3A_704 : i32 to vector<16xi32>
    %mul3A_706 = arith.muli %shift_right_arithmetic3A_703, %mul3A_705 : vector<16xi32>
    %shift_right_arithmetic3A_707 = arith.constant 7 : i32
    %shift_right_arithmetic3A_708 = vector.broadcast %shift_right_arithmetic3A_707 : i32 to vector<16xi32>
    %shift_right_arithmetic3A_709 = arith.shrsi %add3A_697, %shift_right_arithmetic3A_708 : vector<16xi32>
    %mul3A_710 = arith.constant 1024 : i32
    %mul3A_711 = vector.broadcast %mul3A_710 : i32 to vector<16xi32>
    %mul3A_712 = arith.muli %shift_right_arithmetic3A_709, %mul3A_711 : vector<16xi32>
    %add3A_713 = arith.addi %mul3A_706, %mul3A_712 : vector<16xi32>
    %and3A_714 = arith.constant 7 : i32
    %and3A_715 = vector.broadcast %and3A_714 : i32 to vector<16xi32>
    %and3A_716 = arith.andi %get3A_700, %and3A_715 : vector<16xi32>
    %shift_left3A_717 = arith.constant 7 : i32
    %shift_left3A_718 = vector.broadcast %shift_left3A_717 : i32 to vector<16xi32>
    %shift_left3A_719 = arith.shli %and3A_716, %shift_left3A_718 : vector<16xi32>
    %add3A_720 = arith.addi %add3A_713, %shift_left3A_719 : vector<16xi32>
    %and3A_721 = arith.constant 127 : i32
    %and3A_722 = vector.broadcast %and3A_721 : i32 to vector<16xi32>
    %and3A_723 = arith.andi %add3A_697, %and3A_722 : vector<16xi32>
    %add3A_724 = arith.addi %add3A_720, %and3A_723 : vector<16xi32>
    %swap3A_725 = arith.constant 272 : index
    %swap3A_726 = tpu.vector_load %arg6[%swap3A_725] {strides = array<i32>} : memref<512xi32, #tpu.memory_space<vmem>>, vector<16xi32>,
    %swap3A_727 = vector.shape_cast %swap3A_726 : vector<16xi32> to vector<16xi32>
    %swap3A_728 = vector.shape_cast %add3A_724 : vector<16xi32> to vector<16xi32>
    tpu.vector_store %arg6[%swap3A_725], %swap3A_728 {strides = array<i32>} : memref<512xi32, #tpu.memory_space<vmem>>, vector<16xi32>,
    %broadcast_in_dim3A_729 = arith.constant 1.000000e+00 : f32
    %broadcast_in_dim3A_730 = vector.broadcast %broadcast_in_dim3A_729 : f32 to vector<16xf32>
    %swap3A_731 = arith.constant 272 : index
    %swap3A_732 = tpu.vector_load %arg7[%swap3A_731] {strides = array<i32>} : memref<512xf32, #tpu.memory_space<vmem>>, vector<16xf32>,
    %swap3A_733 = vector.shape_cast %swap3A_732 : vector<16xf32> to vector<16xf32>
    %swap3A_734 = vector.shape_cast %broadcast_in_dim3A_730 : vector<16xf32> to vector<16xf32>
    tpu.vector_store %arg7[%swap3A_731], %swap3A_734 {strides = array<i32>} : memref<512xf32, #tpu.memory_space<vmem>>, vector<16xf32>,
    %add3A_735 = arith.constant 288 : i32
    %add3A_736 = arith.addi %mul3A_2, %add3A_735 : i32
    %add3A_737 = vector.broadcast %add3A_736 : i32 to vector<16xi32>
    %add3A_738 = arith.addi %add3A_737, %iota3A : vector<16xi32>
    %get3A_739 = arith.constant 288 : index
    %get3A_740 = tpu.vector_load %arg5[%get3A_739] {strides = array<i32>} : memref<512xi32, #tpu.memory_space<vmem>>, vector<16xi32>,
    %get3A_741 = vector.shape_cast %get3A_740 : vector<16xi32> to vector<16xi32>
    %shift_right_arithmetic3A_742 = arith.constant 3 : i32
    %shift_right_arithmetic3A_743 = vector.broadcast %shift_right_arithmetic3A_742 : i32 to vector<16xi32>
    %shift_right_arithmetic3A_744 = arith.shrsi %get3A_741, %shift_right_arithmetic3A_743 : vector<16xi32>
    %mul3A_745 = arith.constant 131072 : i32
    %mul3A_746 = vector.broadcast %mul3A_745 : i32 to vector<16xi32>
    %mul3A_747 = arith.muli %shift_right_arithmetic3A_744, %mul3A_746 : vector<16xi32>
    %shift_right_arithmetic3A_748 = arith.constant 7 : i32
    %shift_right_arithmetic3A_749 = vector.broadcast %shift_right_arithmetic3A_748 : i32 to vector<16xi32>
    %shift_right_arithmetic3A_750 = arith.shrsi %add3A_738, %shift_right_arithmetic3A_749 : vector<16xi32>
    %mul3A_751 = arith.constant 1024 : i32
    %mul3A_752 = vector.broadcast %mul3A_751 : i32 to vector<16xi32>
    %mul3A_753 = arith.muli %shift_right_arithmetic3A_750, %mul3A_752 : vector<16xi32>
    %add3A_754 = arith.addi %mul3A_747, %mul3A_753 : vector<16xi32>
    %and3A_755 = arith.constant 7 : i32
    %and3A_756 = vector.broadcast %and3A_755 : i32 to vector<16xi32>
    %and3A_757 = arith.andi %get3A_741, %and3A_756 : vector<16xi32>
    %shift_left3A_758 = arith.constant 7 : i32
    %shift_left3A_759 = vector.broadcast %shift_left3A_758 : i32 to vector<16xi32>
    %shift_left3A_760 = arith.shli %and3A_757, %shift_left3A_759 : vector<16xi32>
    %add3A_761 = arith.addi %add3A_754, %shift_left3A_760 : vector<16xi32>
    %and3A_762 = arith.constant 127 : i32
    %and3A_763 = vector.broadcast %and3A_762 : i32 to vector<16xi32>
    %and3A_764 = arith.andi %add3A_738, %and3A_763 : vector<16xi32>
    %add3A_765 = arith.addi %add3A_761, %and3A_764 : vector<16xi32>
    %swap3A_766 = arith.constant 288 : index
    %swap3A_767 = tpu.vector_load %arg6[%swap3A_766] {strides = array<i32>} : memref<512xi32, #tpu.memory_space<vmem>>, vector<16xi32>,
    %swap3A_768 = vector.shape_cast %swap3A_767 : vector<16xi32> to vector<16xi32>
    %swap3A_769 = vector.shape_cast %add3A_765 : vector<16xi32> to vector<16xi32>
    tpu.vector_store %arg6[%swap3A_766], %swap3A_769 {strides = array<i32>} : memref<512xi32, #tpu.memory_space<vmem>>, vector<16xi32>,
    %broadcast_in_dim3A_770 = arith.constant 1.000000e+00 : f32
    %broadcast_in_dim3A_771 = vector.broadcast %broadcast_in_dim3A_770 : f32 to vector<16xf32>
    %swap3A_772 = arith.constant 288 : index
    %swap3A_773 = tpu.vector_load %arg7[%swap3A_772] {strides = array<i32>} : memref<512xf32, #tpu.memory_space<vmem>>, vector<16xf32>,
    %swap3A_774 = vector.shape_cast %swap3A_773 : vector<16xf32> to vector<16xf32>
    %swap3A_775 = vector.shape_cast %broadcast_in_dim3A_771 : vector<16xf32> to vector<16xf32>
    tpu.vector_store %arg7[%swap3A_772], %swap3A_775 {strides = array<i32>} : memref<512xf32, #tpu.memory_space<vmem>>, vector<16xf32>,
    %add3A_776 = arith.constant 304 : i32
    %add3A_777 = arith.addi %mul3A_2, %add3A_776 : i32
    %add3A_778 = vector.broadcast %add3A_777 : i32 to vector<16xi32>
    %add3A_779 = arith.addi %add3A_778, %iota3A : vector<16xi32>
    %get3A_780 = arith.constant 304 : index
    %get3A_781 = tpu.vector_load %arg5[%get3A_780] {strides = array<i32>} : memref<512xi32, #tpu.memory_space<vmem>>, vector<16xi32>,
    %get3A_782 = vector.shape_cast %get3A_781 : vector<16xi32> to vector<16xi32>
    %shift_right_arithmetic3A_783 = arith.constant 3 : i32
    %shift_right_arithmetic3A_784 = vector.broadcast %shift_right_arithmetic3A_783 : i32 to vector<16xi32>
    %shift_right_arithmetic3A_785 = arith.shrsi %get3A_782, %shift_right_arithmetic3A_784 : vector<16xi32>
    %mul3A_786 = arith.constant 131072 : i32
    %mul3A_787 = vector.broadcast %mul3A_786 : i32 to vector<16xi32>
    %mul3A_788 = arith.muli %shift_right_arithmetic3A_785, %mul3A_787 : vector<16xi32>
    %shift_right_arithmetic3A_789 = arith.constant 7 : i32
    %shift_right_arithmetic3A_790 = vector.broadcast %shift_right_arithmetic3A_789 : i32 to vector<16xi32>
    %shift_right_arithmetic3A_791 = arith.shrsi %add3A_779, %shift_right_arithmetic3A_790 : vector<16xi32>
    %mul3A_792 = arith.constant 1024 : i32
    %mul3A_793 = vector.broadcast %mul3A_792 : i32 to vector<16xi32>
    %mul3A_794 = arith.muli %shift_right_arithmetic3A_791, %mul3A_793 : vector<16xi32>
    %add3A_795 = arith.addi %mul3A_788, %mul3A_794 : vector<16xi32>
    %and3A_796 = arith.constant 7 : i32
    %and3A_797 = vector.broadcast %and3A_796 : i32 to vector<16xi32>
    %and3A_798 = arith.andi %get3A_782, %and3A_797 : vector<16xi32>
    %shift_left3A_799 = arith.constant 7 : i32
    %shift_left3A_800 = vector.broadcast %shift_left3A_799 : i32 to vector<16xi32>
    %shift_left3A_801 = arith.shli %and3A_798, %shift_left3A_800 : vector<16xi32>
    %add3A_802 = arith.addi %add3A_795, %shift_left3A_801 : vector<16xi32>
    %and3A_803 = arith.constant 127 : i32
    %and3A_804 = vector.broadcast %and3A_803 : i32 to vector<16xi32>
    %and3A_805 = arith.andi %add3A_779, %and3A_804 : vector<16xi32>
    %add3A_806 = arith.addi %add3A_802, %and3A_805 : vector<16xi32>
    %swap3A_807 = arith.constant 304 : index
    %swap3A_808 = tpu.vector_load %arg6[%swap3A_807] {strides = array<i32>} : memref<512xi32, #tpu.memory_space<vmem>>, vector<16xi32>,
    %swap3A_809 = vector.shape_cast %swap3A_808 : vector<16xi32> to vector<16xi32>
    %swap3A_810 = vector.shape_cast %add3A_806 : vector<16xi32> to vector<16xi32>
    tpu.vector_store %arg6[%swap3A_807], %swap3A_810 {strides = array<i32>} : memref<512xi32, #tpu.memory_space<vmem>>, vector<16xi32>,
    %broadcast_in_dim3A_811 = arith.constant 1.000000e+00 : f32
    %broadcast_in_dim3A_812 = vector.broadcast %broadcast_in_dim3A_811 : f32 to vector<16xf32>
    %swap3A_813 = arith.constant 304 : index
    %swap3A_814 = tpu.vector_load %arg7[%swap3A_813] {strides = array<i32>} : memref<512xf32, #tpu.memory_space<vmem>>, vector<16xf32>,
    %swap3A_815 = vector.shape_cast %swap3A_814 : vector<16xf32> to vector<16xf32>
    %swap3A_816 = vector.shape_cast %broadcast_in_dim3A_812 : vector<16xf32> to vector<16xf32>
    tpu.vector_store %arg7[%swap3A_813], %swap3A_816 {strides = array<i32>} : memref<512xf32, #tpu.memory_space<vmem>>, vector<16xf32>,
    %add3A_817 = arith.constant 320 : i32
    %add3A_818 = arith.addi %mul3A_2, %add3A_817 : i32
    %add3A_819 = vector.broadcast %add3A_818 : i32 to vector<16xi32>
    %add3A_820 = arith.addi %add3A_819, %iota3A : vector<16xi32>
    %get3A_821 = arith.constant 320 : index
    %get3A_822 = tpu.vector_load %arg5[%get3A_821] {strides = array<i32>} : memref<512xi32, #tpu.memory_space<vmem>>, vector<16xi32>,
    %get3A_823 = vector.shape_cast %get3A_822 : vector<16xi32> to vector<16xi32>
    %shift_right_arithmetic3A_824 = arith.constant 3 : i32
    %shift_right_arithmetic3A_825 = vector.broadcast %shift_right_arithmetic3A_824 : i32 to vector<16xi32>
    %shift_right_arithmetic3A_826 = arith.shrsi %get3A_823, %shift_right_arithmetic3A_825 : vector<16xi32>
    %mul3A_827 = arith.constant 131072 : i32
    %mul3A_828 = vector.broadcast %mul3A_827 : i32 to vector<16xi32>
    %mul3A_829 = arith.muli %shift_right_arithmetic3A_826, %mul3A_828 : vector<16xi32>
    %shift_right_arithmetic3A_830 = arith.constant 7 : i32
    %shift_right_arithmetic3A_831 = vector.broadcast %shift_right_arithmetic3A_830 : i32 to vector<16xi32>
    %shift_right_arithmetic3A_832 = arith.shrsi %add3A_820, %shift_right_arithmetic3A_831 : vector<16xi32>
    %mul3A_833 = arith.constant 1024 : i32
    %mul3A_834 = vector.broadcast %mul3A_833 : i32 to vector<16xi32>
    %mul3A_835 = arith.muli %shift_right_arithmetic3A_832, %mul3A_834 : vector<16xi32>
    %add3A_836 = arith.addi %mul3A_829, %mul3A_835 : vector<16xi32>
    %and3A_837 = arith.constant 7 : i32
    %and3A_838 = vector.broadcast %and3A_837 : i32 to vector<16xi32>
    %and3A_839 = arith.andi %get3A_823, %and3A_838 : vector<16xi32>
    %shift_left3A_840 = arith.constant 7 : i32
    %shift_left3A_841 = vector.broadcast %shift_left3A_840 : i32 to vector<16xi32>
    %shift_left3A_842 = arith.shli %and3A_839, %shift_left3A_841 : vector<16xi32>
    %add3A_843 = arith.addi %add3A_836, %shift_left3A_842 : vector<16xi32>
    %and3A_844 = arith.constant 127 : i32
    %and3A_845 = vector.broadcast %and3A_844 : i32 to vector<16xi32>
    %and3A_846 = arith.andi %add3A_820, %and3A_845 : vector<16xi32>
    %add3A_847 = arith.addi %add3A_843, %and3A_846 : vector<16xi32>
    %swap3A_848 = arith.constant 320 : index
    %swap3A_849 = tpu.vector_load %arg6[%swap3A_848] {strides = array<i32>} : memref<512xi32, #tpu.memory_space<vmem>>, vector<16xi32>,
    %swap3A_850 = vector.shape_cast %swap3A_849 : vector<16xi32> to vector<16xi32>
    %swap3A_851 = vector.shape_cast %add3A_847 : vector<16xi32> to vector<16xi32>
    tpu.vector_store %arg6[%swap3A_848], %swap3A_851 {strides = array<i32>} : memref<512xi32, #tpu.memory_space<vmem>>, vector<16xi32>,
    %broadcast_in_dim3A_852 = arith.constant 1.000000e+00 : f32
    %broadcast_in_dim3A_853 = vector.broadcast %broadcast_in_dim3A_852 : f32 to vector<16xf32>
    %swap3A_854 = arith.constant 320 : index
    %swap3A_855 = tpu.vector_load %arg7[%swap3A_854] {strides = array<i32>} : memref<512xf32, #tpu.memory_space<vmem>>, vector<16xf32>,
    %swap3A_856 = vector.shape_cast %swap3A_855 : vector<16xf32> to vector<16xf32>
    %swap3A_857 = vector.shape_cast %broadcast_in_dim3A_853 : vector<16xf32> to vector<16xf32>
    tpu.vector_store %arg7[%swap3A_854], %swap3A_857 {strides = array<i32>} : memref<512xf32, #tpu.memory_space<vmem>>, vector<16xf32>,
    %add3A_858 = arith.constant 336 : i32
    %add3A_859 = arith.addi %mul3A_2, %add3A_858 : i32
    %add3A_860 = vector.broadcast %add3A_859 : i32 to vector<16xi32>
    %add3A_861 = arith.addi %add3A_860, %iota3A : vector<16xi32>
    %get3A_862 = arith.constant 336 : index
    %get3A_863 = tpu.vector_load %arg5[%get3A_862] {strides = array<i32>} : memref<512xi32, #tpu.memory_space<vmem>>, vector<16xi32>,
    %get3A_864 = vector.shape_cast %get3A_863 : vector<16xi32> to vector<16xi32>
    %shift_right_arithmetic3A_865 = arith.constant 3 : i32
    %shift_right_arithmetic3A_866 = vector.broadcast %shift_right_arithmetic3A_865 : i32 to vector<16xi32>
    %shift_right_arithmetic3A_867 = arith.shrsi %get3A_864, %shift_right_arithmetic3A_866 : vector<16xi32>
    %mul3A_868 = arith.constant 131072 : i32
    %mul3A_869 = vector.broadcast %mul3A_868 : i32 to vector<16xi32>
    %mul3A_870 = arith.muli %shift_right_arithmetic3A_867, %mul3A_869 : vector<16xi32>
    %shift_right_arithmetic3A_871 = arith.constant 7 : i32
    %shift_right_arithmetic3A_872 = vector.broadcast %shift_right_arithmetic3A_871 : i32 to vector<16xi32>
    %shift_right_arithmetic3A_873 = arith.shrsi %add3A_861, %shift_right_arithmetic3A_872 : vector<16xi32>
    %mul3A_874 = arith.constant 1024 : i32
    %mul3A_875 = vector.broadcast %mul3A_874 : i32 to vector<16xi32>
    %mul3A_876 = arith.muli %shift_right_arithmetic3A_873, %mul3A_875 : vector<16xi32>
    %add3A_877 = arith.addi %mul3A_870, %mul3A_876 : vector<16xi32>
    %and3A_878 = arith.constant 7 : i32
    %and3A_879 = vector.broadcast %and3A_878 : i32 to vector<16xi32>
    %and3A_880 = arith.andi %get3A_864, %and3A_879 : vector<16xi32>
    %shift_left3A_881 = arith.constant 7 : i32
    %shift_left3A_882 = vector.broadcast %shift_left3A_881 : i32 to vector<16xi32>
    %shift_left3A_883 = arith.shli %and3A_880, %shift_left3A_882 : vector<16xi32>
    %add3A_884 = arith.addi %add3A_877, %shift_left3A_883 : vector<16xi32>
    %and3A_885 = arith.constant 127 : i32
    %and3A_886 = vector.broadcast %and3A_885 : i32 to vector<16xi32>
    %and3A_887 = arith.andi %add3A_861, %and3A_886 : vector<16xi32>
    %add3A_888 = arith.addi %add3A_884, %and3A_887 : vector<16xi32>
    %swap3A_889 = arith.constant 336 : index
    %swap3A_890 = tpu.vector_load %arg6[%swap3A_889] {strides = array<i32>} : memref<512xi32, #tpu.memory_space<vmem>>, vector<16xi32>,
    %swap3A_891 = vector.shape_cast %swap3A_890 : vector<16xi32> to vector<16xi32>
    %swap3A_892 = vector.shape_cast %add3A_888 : vector<16xi32> to vector<16xi32>
    tpu.vector_store %arg6[%swap3A_889], %swap3A_892 {strides = array<i32>} : memref<512xi32, #tpu.memory_space<vmem>>, vector<16xi32>,
    %broadcast_in_dim3A_893 = arith.constant 1.000000e+00 : f32
    %broadcast_in_dim3A_894 = vector.broadcast %broadcast_in_dim3A_893 : f32 to vector<16xf32>
    %swap3A_895 = arith.constant 336 : index
    %swap3A_896 = tpu.vector_load %arg7[%swap3A_895] {strides = array<i32>} : memref<512xf32, #tpu.memory_space<vmem>>, vector<16xf32>,
    %swap3A_897 = vector.shape_cast %swap3A_896 : vector<16xf32> to vector<16xf32>
    %swap3A_898 = vector.shape_cast %broadcast_in_dim3A_894 : vector<16xf32> to vector<16xf32>
    tpu.vector_store %arg7[%swap3A_895], %swap3A_898 {strides = array<i32>} : memref<512xf32, #tpu.memory_space<vmem>>, vector<16xf32>,
    %add3A_899 = arith.constant 352 : i32
    %add3A_900 = arith.addi %mul3A_2, %add3A_899 : i32
    %add3A_901 = vector.broadcast %add3A_900 : i32 to vector<16xi32>
    %add3A_902 = arith.addi %add3A_901, %iota3A : vector<16xi32>
    %get3A_903 = arith.constant 352 : index
    %get3A_904 = tpu.vector_load %arg5[%get3A_903] {strides = array<i32>} : memref<512xi32, #tpu.memory_space<vmem>>, vector<16xi32>,
    %get3A_905 = vector.shape_cast %get3A_904 : vector<16xi32> to vector<16xi32>
    %shift_right_arithmetic3A_906 = arith.constant 3 : i32
    %shift_right_arithmetic3A_907 = vector.broadcast %shift_right_arithmetic3A_906 : i32 to vector<16xi32>
    %shift_right_arithmetic3A_908 = arith.shrsi %get3A_905, %shift_right_arithmetic3A_907 : vector<16xi32>
    %mul3A_909 = arith.constant 131072 : i32
    %mul3A_910 = vector.broadcast %mul3A_909 : i32 to vector<16xi32>
    %mul3A_911 = arith.muli %shift_right_arithmetic3A_908, %mul3A_910 : vector<16xi32>
    %shift_right_arithmetic3A_912 = arith.constant 7 : i32
    %shift_right_arithmetic3A_913 = vector.broadcast %shift_right_arithmetic3A_912 : i32 to vector<16xi32>
    %shift_right_arithmetic3A_914 = arith.shrsi %add3A_902, %shift_right_arithmetic3A_913 : vector<16xi32>
    %mul3A_915 = arith.constant 1024 : i32
    %mul3A_916 = vector.broadcast %mul3A_915 : i32 to vector<16xi32>
    %mul3A_917 = arith.muli %shift_right_arithmetic3A_914, %mul3A_916 : vector<16xi32>
    %add3A_918 = arith.addi %mul3A_911, %mul3A_917 : vector<16xi32>
    %and3A_919 = arith.constant 7 : i32
    %and3A_920 = vector.broadcast %and3A_919 : i32 to vector<16xi32>
    %and3A_921 = arith.andi %get3A_905, %and3A_920 : vector<16xi32>
    %shift_left3A_922 = arith.constant 7 : i32
    %shift_left3A_923 = vector.broadcast %shift_left3A_922 : i32 to vector<16xi32>
    %shift_left3A_924 = arith.shli %and3A_921, %shift_left3A_923 : vector<16xi32>
    %add3A_925 = arith.addi %add3A_918, %shift_left3A_924 : vector<16xi32>
    %and3A_926 = arith.constant 127 : i32
    %and3A_927 = vector.broadcast %and3A_926 : i32 to vector<16xi32>
    %and3A_928 = arith.andi %add3A_902, %and3A_927 : vector<16xi32>
    %add3A_929 = arith.addi %add3A_925, %and3A_928 : vector<16xi32>
    %swap3A_930 = arith.constant 352 : index
    %swap3A_931 = tpu.vector_load %arg6[%swap3A_930] {strides = array<i32>} : memref<512xi32, #tpu.memory_space<vmem>>, vector<16xi32>,
    %swap3A_932 = vector.shape_cast %swap3A_931 : vector<16xi32> to vector<16xi32>
    %swap3A_933 = vector.shape_cast %add3A_929 : vector<16xi32> to vector<16xi32>
    tpu.vector_store %arg6[%swap3A_930], %swap3A_933 {strides = array<i32>} : memref<512xi32, #tpu.memory_space<vmem>>, vector<16xi32>,
    %broadcast_in_dim3A_934 = arith.constant 1.000000e+00 : f32
    %broadcast_in_dim3A_935 = vector.broadcast %broadcast_in_dim3A_934 : f32 to vector<16xf32>
    %swap3A_936 = arith.constant 352 : index
    %swap3A_937 = tpu.vector_load %arg7[%swap3A_936] {strides = array<i32>} : memref<512xf32, #tpu.memory_space<vmem>>, vector<16xf32>,
    %swap3A_938 = vector.shape_cast %swap3A_937 : vector<16xf32> to vector<16xf32>
    %swap3A_939 = vector.shape_cast %broadcast_in_dim3A_935 : vector<16xf32> to vector<16xf32>
    tpu.vector_store %arg7[%swap3A_936], %swap3A_939 {strides = array<i32>} : memref<512xf32, #tpu.memory_space<vmem>>, vector<16xf32>,
    %add3A_940 = arith.constant 368 : i32
    %add3A_941 = arith.addi %mul3A_2, %add3A_940 : i32
    %add3A_942 = vector.broadcast %add3A_941 : i32 to vector<16xi32>
    %add3A_943 = arith.addi %add3A_942, %iota3A : vector<16xi32>
    %get3A_944 = arith.constant 368 : index
    %get3A_945 = tpu.vector_load %arg5[%get3A_944] {strides = array<i32>} : memref<512xi32, #tpu.memory_space<vmem>>, vector<16xi32>,
    %get3A_946 = vector.shape_cast %get3A_945 : vector<16xi32> to vector<16xi32>
    %shift_right_arithmetic3A_947 = arith.constant 3 : i32
    %shift_right_arithmetic3A_948 = vector.broadcast %shift_right_arithmetic3A_947 : i32 to vector<16xi32>
    %shift_right_arithmetic3A_949 = arith.shrsi %get3A_946, %shift_right_arithmetic3A_948 : vector<16xi32>
    %mul3A_950 = arith.constant 131072 : i32
    %mul3A_951 = vector.broadcast %mul3A_950 : i32 to vector<16xi32>
    %mul3A_952 = arith.muli %shift_right_arithmetic3A_949, %mul3A_951 : vector<16xi32>
    %shift_right_arithmetic3A_953 = arith.constant 7 : i32
    %shift_right_arithmetic3A_954 = vector.broadcast %shift_right_arithmetic3A_953 : i32 to vector<16xi32>
    %shift_right_arithmetic3A_955 = arith.shrsi %add3A_943, %shift_right_arithmetic3A_954 : vector<16xi32>
    %mul3A_956 = arith.constant 1024 : i32
    %mul3A_957 = vector.broadcast %mul3A_956 : i32 to vector<16xi32>
    %mul3A_958 = arith.muli %shift_right_arithmetic3A_955, %mul3A_957 : vector<16xi32>
    %add3A_959 = arith.addi %mul3A_952, %mul3A_958 : vector<16xi32>
    %and3A_960 = arith.constant 7 : i32
    %and3A_961 = vector.broadcast %and3A_960 : i32 to vector<16xi32>
    %and3A_962 = arith.andi %get3A_946, %and3A_961 : vector<16xi32>
    %shift_left3A_963 = arith.constant 7 : i32
    %shift_left3A_964 = vector.broadcast %shift_left3A_963 : i32 to vector<16xi32>
    %shift_left3A_965 = arith.shli %and3A_962, %shift_left3A_964 : vector<16xi32>
    %add3A_966 = arith.addi %add3A_959, %shift_left3A_965 : vector<16xi32>
    %and3A_967 = arith.constant 127 : i32
    %and3A_968 = vector.broadcast %and3A_967 : i32 to vector<16xi32>
    %and3A_969 = arith.andi %add3A_943, %and3A_968 : vector<16xi32>
    %add3A_970 = arith.addi %add3A_966, %and3A_969 : vector<16xi32>
    %swap3A_971 = arith.constant 368 : index
    %swap3A_972 = tpu.vector_load %arg6[%swap3A_971] {strides = array<i32>} : memref<512xi32, #tpu.memory_space<vmem>>, vector<16xi32>,
    %swap3A_973 = vector.shape_cast %swap3A_972 : vector<16xi32> to vector<16xi32>
    %swap3A_974 = vector.shape_cast %add3A_970 : vector<16xi32> to vector<16xi32>
    tpu.vector_store %arg6[%swap3A_971], %swap3A_974 {strides = array<i32>} : memref<512xi32, #tpu.memory_space<vmem>>, vector<16xi32>,
    %broadcast_in_dim3A_975 = arith.constant 1.000000e+00 : f32
    %broadcast_in_dim3A_976 = vector.broadcast %broadcast_in_dim3A_975 : f32 to vector<16xf32>
    %swap3A_977 = arith.constant 368 : index
    %swap3A_978 = tpu.vector_load %arg7[%swap3A_977] {strides = array<i32>} : memref<512xf32, #tpu.memory_space<vmem>>, vector<16xf32>,
    %swap3A_979 = vector.shape_cast %swap3A_978 : vector<16xf32> to vector<16xf32>
    %swap3A_980 = vector.shape_cast %broadcast_in_dim3A_976 : vector<16xf32> to vector<16xf32>
    tpu.vector_store %arg7[%swap3A_977], %swap3A_980 {strides = array<i32>} : memref<512xf32, #tpu.memory_space<vmem>>, vector<16xf32>,
    %add3A_981 = arith.constant 384 : i32
    %add3A_982 = arith.addi %mul3A_2, %add3A_981 : i32
    %add3A_983 = vector.broadcast %add3A_982 : i32 to vector<16xi32>
    %add3A_984 = arith.addi %add3A_983, %iota3A : vector<16xi32>
    %get3A_985 = arith.constant 384 : index
    %get3A_986 = tpu.vector_load %arg5[%get3A_985] {strides = array<i32>} : memref<512xi32, #tpu.memory_space<vmem>>, vector<16xi32>,
    %get3A_987 = vector.shape_cast %get3A_986 : vector<16xi32> to vector<16xi32>
    %shift_right_arithmetic3A_988 = arith.constant 3 : i32
    %shift_right_arithmetic3A_989 = vector.broadcast %shift_right_arithmetic3A_988 : i32 to vector<16xi32>
    %shift_right_arithmetic3A_990 = arith.shrsi %get3A_987, %shift_right_arithmetic3A_989 : vector<16xi32>
    %mul3A_991 = arith.constant 131072 : i32
    %mul3A_992 = vector.broadcast %mul3A_991 : i32 to vector<16xi32>
    %mul3A_993 = arith.muli %shift_right_arithmetic3A_990, %mul3A_992 : vector<16xi32>
    %shift_right_arithmetic3A_994 = arith.constant 7 : i32
    %shift_right_arithmetic3A_995 = vector.broadcast %shift_right_arithmetic3A_994 : i32 to vector<16xi32>
    %shift_right_arithmetic3A_996 = arith.shrsi %add3A_984, %shift_right_arithmetic3A_995 : vector<16xi32>
    %mul3A_997 = arith.constant 1024 : i32
    %mul3A_998 = vector.broadcast %mul3A_997 : i32 to vector<16xi32>
    %mul3A_999 = arith.muli %shift_right_arithmetic3A_996, %mul3A_998 : vector<16xi32>
    %add3A_1000 = arith.addi %mul3A_993, %mul3A_999 : vector<16xi32>
    %and3A_1001 = arith.constant 7 : i32
    %and3A_1002 = vector.broadcast %and3A_1001 : i32 to vector<16xi32>
    %and3A_1003 = arith.andi %get3A_987, %and3A_1002 : vector<16xi32>
    %shift_left3A_1004 = arith.constant 7 : i32
    %shift_left3A_1005 = vector.broadcast %shift_left3A_1004 : i32 to vector<16xi32>
    %shift_left3A_1006 = arith.shli %and3A_1003, %shift_left3A_1005 : vector<16xi32>
    %add3A_1007 = arith.addi %add3A_1000, %shift_left3A_1006 : vector<16xi32>
    %and3A_1008 = arith.constant 127 : i32
    %and3A_1009 = vector.broadcast %and3A_1008 : i32 to vector<16xi32>
    %and3A_1010 = arith.andi %add3A_984, %and3A_1009 : vector<16xi32>
    %add3A_1011 = arith.addi %add3A_1007, %and3A_1010 : vector<16xi32>
    %swap3A_1012 = arith.constant 384 : index
    %swap3A_1013 = tpu.vector_load %arg6[%swap3A_1012] {strides = array<i32>} : memref<512xi32, #tpu.memory_space<vmem>>, vector<16xi32>,
    %swap3A_1014 = vector.shape_cast %swap3A_1013 : vector<16xi32> to vector<16xi32>
    %swap3A_1015 = vector.shape_cast %add3A_1011 : vector<16xi32> to vector<16xi32>
    tpu.vector_store %arg6[%swap3A_1012], %swap3A_1015 {strides = array<i32>} : memref<512xi32, #tpu.memory_space<vmem>>, vector<16xi32>,
    %broadcast_in_dim3A_1016 = arith.constant 1.000000e+00 : f32
    %broadcast_in_dim3A_1017 = vector.broadcast %broadcast_in_dim3A_1016 : f32 to vector<16xf32>
    %swap3A_1018 = arith.constant 384 : index
    %swap3A_1019 = tpu.vector_load %arg7[%swap3A_1018] {strides = array<i32>} : memref<512xf32, #tpu.memory_space<vmem>>, vector<16xf32>,
    %swap3A_1020 = vector.shape_cast %swap3A_1019 : vector<16xf32> to vector<16xf32>
    %swap3A_1021 = vector.shape_cast %broadcast_in_dim3A_1017 : vector<16xf32> to vector<16xf32>
    tpu.vector_store %arg7[%swap3A_1018], %swap3A_1021 {strides = array<i32>} : memref<512xf32, #tpu.memory_space<vmem>>, vector<16xf32>,
    %add3A_1022 = arith.constant 400 : i32
    %add3A_1023 = arith.addi %mul3A_2, %add3A_1022 : i32
    %add3A_1024 = vector.broadcast %add3A_1023 : i32 to vector<16xi32>
    %add3A_1025 = arith.addi %add3A_1024, %iota3A : vector<16xi32>
    %get3A_1026 = arith.constant 400 : index
    %get3A_1027 = tpu.vector_load %arg5[%get3A_1026] {strides = array<i32>} : memref<512xi32, #tpu.memory_space<vmem>>, vector<16xi32>,
    %get3A_1028 = vector.shape_cast %get3A_1027 : vector<16xi32> to vector<16xi32>
    %shift_right_arithmetic3A_1029 = arith.constant 3 : i32
    %shift_right_arithmetic3A_1030 = vector.broadcast %shift_right_arithmetic3A_1029 : i32 to vector<16xi32>
    %shift_right_arithmetic3A_1031 = arith.shrsi %get3A_1028, %shift_right_arithmetic3A_1030 : vector<16xi32>
    %mul3A_1032 = arith.constant 131072 : i32
    %mul3A_1033 = vector.broadcast %mul3A_1032 : i32 to vector<16xi32>
    %mul3A_1034 = arith.muli %shift_right_arithmetic3A_1031, %mul3A_1033 : vector<16xi32>
    %shift_right_arithmetic3A_1035 = arith.constant 7 : i32
    %shift_right_arithmetic3A_1036 = vector.broadcast %shift_right_arithmetic3A_1035 : i32 to vector<16xi32>
    %shift_right_arithmetic3A_1037 = arith.shrsi %add3A_1025, %shift_right_arithmetic3A_1036 : vector<16xi32>
    %mul3A_1038 = arith.constant 1024 : i32
    %mul3A_1039 = vector.broadcast %mul3A_1038 : i32 to vector<16xi32>
    %mul3A_1040 = arith.muli %shift_right_arithmetic3A_1037, %mul3A_1039 : vector<16xi32>
    %add3A_1041 = arith.addi %mul3A_1034, %mul3A_1040 : vector<16xi32>
    %and3A_1042 = arith.constant 7 : i32
    %and3A_1043 = vector.broadcast %and3A_1042 : i32 to vector<16xi32>
    %and3A_1044 = arith.andi %get3A_1028, %and3A_1043 : vector<16xi32>
    %shift_left3A_1045 = arith.constant 7 : i32
    %shift_left3A_1046 = vector.broadcast %shift_left3A_1045 : i32 to vector<16xi32>
    %shift_left3A_1047 = arith.shli %and3A_1044, %shift_left3A_1046 : vector<16xi32>
    %add3A_1048 = arith.addi %add3A_1041, %shift_left3A_1047 : vector<16xi32>
    %and3A_1049 = arith.constant 127 : i32
    %and3A_1050 = vector.broadcast %and3A_1049 : i32 to vector<16xi32>
    %and3A_1051 = arith.andi %add3A_1025, %and3A_1050 : vector<16xi32>
    %add3A_1052 = arith.addi %add3A_1048, %and3A_1051 : vector<16xi32>
    %swap3A_1053 = arith.constant 400 : index
    %swap3A_1054 = tpu.vector_load %arg6[%swap3A_1053] {strides = array<i32>} : memref<512xi32, #tpu.memory_space<vmem>>, vector<16xi32>,
    %swap3A_1055 = vector.shape_cast %swap3A_1054 : vector<16xi32> to vector<16xi32>
    %swap3A_1056 = vector.shape_cast %add3A_1052 : vector<16xi32> to vector<16xi32>
    tpu.vector_store %arg6[%swap3A_1053], %swap3A_1056 {strides = array<i32>} : memref<512xi32, #tpu.memory_space<vmem>>, vector<16xi32>,
    %broadcast_in_dim3A_1057 = arith.constant 1.000000e+00 : f32
    %broadcast_in_dim3A_1058 = vector.broadcast %broadcast_in_dim3A_1057 : f32 to vector<16xf32>
    %swap3A_1059 = arith.constant 400 : index
    %swap3A_1060 = tpu.vector_load %arg7[%swap3A_1059] {strides = array<i32>} : memref<512xf32, #tpu.memory_space<vmem>>, vector<16xf32>,
    %swap3A_1061 = vector.shape_cast %swap3A_1060 : vector<16xf32> to vector<16xf32>
    %swap3A_1062 = vector.shape_cast %broadcast_in_dim3A_1058 : vector<16xf32> to vector<16xf32>
    tpu.vector_store %arg7[%swap3A_1059], %swap3A_1062 {strides = array<i32>} : memref<512xf32, #tpu.memory_space<vmem>>, vector<16xf32>,
    %add3A_1063 = arith.constant 416 : i32
    %add3A_1064 = arith.addi %mul3A_2, %add3A_1063 : i32
    %add3A_1065 = vector.broadcast %add3A_1064 : i32 to vector<16xi32>
    %add3A_1066 = arith.addi %add3A_1065, %iota3A : vector<16xi32>
    %get3A_1067 = arith.constant 416 : index
    %get3A_1068 = tpu.vector_load %arg5[%get3A_1067] {strides = array<i32>} : memref<512xi32, #tpu.memory_space<vmem>>, vector<16xi32>,
    %get3A_1069 = vector.shape_cast %get3A_1068 : vector<16xi32> to vector<16xi32>
    %shift_right_arithmetic3A_1070 = arith.constant 3 : i32
    %shift_right_arithmetic3A_1071 = vector.broadcast %shift_right_arithmetic3A_1070 : i32 to vector<16xi32>
    %shift_right_arithmetic3A_1072 = arith.shrsi %get3A_1069, %shift_right_arithmetic3A_1071 : vector<16xi32>
    %mul3A_1073 = arith.constant 131072 : i32
    %mul3A_1074 = vector.broadcast %mul3A_1073 : i32 to vector<16xi32>
    %mul3A_1075 = arith.muli %shift_right_arithmetic3A_1072, %mul3A_1074 : vector<16xi32>
    %shift_right_arithmetic3A_1076 = arith.constant 7 : i32
    %shift_right_arithmetic3A_1077 = vector.broadcast %shift_right_arithmetic3A_1076 : i32 to vector<16xi32>
    %shift_right_arithmetic3A_1078 = arith.shrsi %add3A_1066, %shift_right_arithmetic3A_1077 : vector<16xi32>
    %mul3A_1079 = arith.constant 1024 : i32
    %mul3A_1080 = vector.broadcast %mul3A_1079 : i32 to vector<16xi32>
    %mul3A_1081 = arith.muli %shift_right_arithmetic3A_1078, %mul3A_1080 : vector<16xi32>
    %add3A_1082 = arith.addi %mul3A_1075, %mul3A_1081 : vector<16xi32>
    %and3A_1083 = arith.constant 7 : i32
    %and3A_1084 = vector.broadcast %and3A_1083 : i32 to vector<16xi32>
    %and3A_1085 = arith.andi %get3A_1069, %and3A_1084 : vector<16xi32>
    %shift_left3A_1086 = arith.constant 7 : i32
    %shift_left3A_1087 = vector.broadcast %shift_left3A_1086 : i32 to vector<16xi32>
    %shift_left3A_1088 = arith.shli %and3A_1085, %shift_left3A_1087 : vector<16xi32>
    %add3A_1089 = arith.addi %add3A_1082, %shift_left3A_1088 : vector<16xi32>
    %and3A_1090 = arith.constant 127 : i32
    %and3A_1091 = vector.broadcast %and3A_1090 : i32 to vector<16xi32>
    %and3A_1092 = arith.andi %add3A_1066, %and3A_1091 : vector<16xi32>
    %add3A_1093 = arith.addi %add3A_1089, %and3A_1092 : vector<16xi32>
    %swap3A_1094 = arith.constant 416 : index
    %swap3A_1095 = tpu.vector_load %arg6[%swap3A_1094] {strides = array<i32>} : memref<512xi32, #tpu.memory_space<vmem>>, vector<16xi32>,
    %swap3A_1096 = vector.shape_cast %swap3A_1095 : vector<16xi32> to vector<16xi32>
    %swap3A_1097 = vector.shape_cast %add3A_1093 : vector<16xi32> to vector<16xi32>
    tpu.vector_store %arg6[%swap3A_1094], %swap3A_1097 {strides = array<i32>} : memref<512xi32, #tpu.memory_space<vmem>>, vector<16xi32>,
    %broadcast_in_dim3A_1098 = arith.constant 1.000000e+00 : f32
    %broadcast_in_dim3A_1099 = vector.broadcast %broadcast_in_dim3A_1098 : f32 to vector<16xf32>
    %swap3A_1100 = arith.constant 416 : index
    %swap3A_1101 = tpu.vector_load %arg7[%swap3A_1100] {strides = array<i32>} : memref<512xf32, #tpu.memory_space<vmem>>, vector<16xf32>,
    %swap3A_1102 = vector.shape_cast %swap3A_1101 : vector<16xf32> to vector<16xf32>
    %swap3A_1103 = vector.shape_cast %broadcast_in_dim3A_1099 : vector<16xf32> to vector<16xf32>
    tpu.vector_store %arg7[%swap3A_1100], %swap3A_1103 {strides = array<i32>} : memref<512xf32, #tpu.memory_space<vmem>>, vector<16xf32>,
    %add3A_1104 = arith.constant 432 : i32
    %add3A_1105 = arith.addi %mul3A_2, %add3A_1104 : i32
    %add3A_1106 = vector.broadcast %add3A_1105 : i32 to vector<16xi32>
    %add3A_1107 = arith.addi %add3A_1106, %iota3A : vector<16xi32>
    %get3A_1108 = arith.constant 432 : index
    %get3A_1109 = tpu.vector_load %arg5[%get3A_1108] {strides = array<i32>} : memref<512xi32, #tpu.memory_space<vmem>>, vector<16xi32>,
    %get3A_1110 = vector.shape_cast %get3A_1109 : vector<16xi32> to vector<16xi32>
    %shift_right_arithmetic3A_1111 = arith.constant 3 : i32
    %shift_right_arithmetic3A_1112 = vector.broadcast %shift_right_arithmetic3A_1111 : i32 to vector<16xi32>
    %shift_right_arithmetic3A_1113 = arith.shrsi %get3A_1110, %shift_right_arithmetic3A_1112 : vector<16xi32>
    %mul3A_1114 = arith.constant 131072 : i32
    %mul3A_1115 = vector.broadcast %mul3A_1114 : i32 to vector<16xi32>
    %mul3A_1116 = arith.muli %shift_right_arithmetic3A_1113, %mul3A_1115 : vector<16xi32>
    %shift_right_arithmetic3A_1117 = arith.constant 7 : i32
    %shift_right_arithmetic3A_1118 = vector.broadcast %shift_right_arithmetic3A_1117 : i32 to vector<16xi32>
    %shift_right_arithmetic3A_1119 = arith.shrsi %add3A_1107, %shift_right_arithmetic3A_1118 : vector<16xi32>
    %mul3A_1120 = arith.constant 1024 : i32
    %mul3A_1121 = vector.broadcast %mul3A_1120 : i32 to vector<16xi32>
    %mul3A_1122 = arith.muli %shift_right_arithmetic3A_1119, %mul3A_1121 : vector<16xi32>
    %add3A_1123 = arith.addi %mul3A_1116, %mul3A_1122 : vector<16xi32>
    %and3A_1124 = arith.constant 7 : i32
    %and3A_1125 = vector.broadcast %and3A_1124 : i32 to vector<16xi32>
    %and3A_1126 = arith.andi %get3A_1110, %and3A_1125 : vector<16xi32>
    %shift_left3A_1127 = arith.constant 7 : i32
    %shift_left3A_1128 = vector.broadcast %shift_left3A_1127 : i32 to vector<16xi32>
    %shift_left3A_1129 = arith.shli %and3A_1126, %shift_left3A_1128 : vector<16xi32>
    %add3A_1130 = arith.addi %add3A_1123, %shift_left3A_1129 : vector<16xi32>
    %and3A_1131 = arith.constant 127 : i32
    %and3A_1132 = vector.broadcast %and3A_1131 : i32 to vector<16xi32>
    %and3A_1133 = arith.andi %add3A_1107, %and3A_1132 : vector<16xi32>
    %add3A_1134 = arith.addi %add3A_1130, %and3A_1133 : vector<16xi32>
    %swap3A_1135 = arith.constant 432 : index
    %swap3A_1136 = tpu.vector_load %arg6[%swap3A_1135] {strides = array<i32>} : memref<512xi32, #tpu.memory_space<vmem>>, vector<16xi32>,
    %swap3A_1137 = vector.shape_cast %swap3A_1136 : vector<16xi32> to vector<16xi32>
    %swap3A_1138 = vector.shape_cast %add3A_1134 : vector<16xi32> to vector<16xi32>
    tpu.vector_store %arg6[%swap3A_1135], %swap3A_1138 {strides = array<i32>} : memref<512xi32, #tpu.memory_space<vmem>>, vector<16xi32>,
    %broadcast_in_dim3A_1139 = arith.constant 1.000000e+00 : f32
    %broadcast_in_dim3A_1140 = vector.broadcast %broadcast_in_dim3A_1139 : f32 to vector<16xf32>
    %swap3A_1141 = arith.constant 432 : index
    %swap3A_1142 = tpu.vector_load %arg7[%swap3A_1141] {strides = array<i32>} : memref<512xf32, #tpu.memory_space<vmem>>, vector<16xf32>,
    %swap3A_1143 = vector.shape_cast %swap3A_1142 : vector<16xf32> to vector<16xf32>
    %swap3A_1144 = vector.shape_cast %broadcast_in_dim3A_1140 : vector<16xf32> to vector<16xf32>
    tpu.vector_store %arg7[%swap3A_1141], %swap3A_1144 {strides = array<i32>} : memref<512xf32, #tpu.memory_space<vmem>>, vector<16xf32>,
    %add3A_1145 = arith.constant 448 : i32
    %add3A_1146 = arith.addi %mul3A_2, %add3A_1145 : i32
    %add3A_1147 = vector.broadcast %add3A_1146 : i32 to vector<16xi32>
    %add3A_1148 = arith.addi %add3A_1147, %iota3A : vector<16xi32>
    %get3A_1149 = arith.constant 448 : index
    %get3A_1150 = tpu.vector_load %arg5[%get3A_1149] {strides = array<i32>} : memref<512xi32, #tpu.memory_space<vmem>>, vector<16xi32>,
    %get3A_1151 = vector.shape_cast %get3A_1150 : vector<16xi32> to vector<16xi32>
    %shift_right_arithmetic3A_1152 = arith.constant 3 : i32
    %shift_right_arithmetic3A_1153 = vector.broadcast %shift_right_arithmetic3A_1152 : i32 to vector<16xi32>
    %shift_right_arithmetic3A_1154 = arith.shrsi %get3A_1151, %shift_right_arithmetic3A_1153 : vector<16xi32>
    %mul3A_1155 = arith.constant 131072 : i32
    %mul3A_1156 = vector.broadcast %mul3A_1155 : i32 to vector<16xi32>
    %mul3A_1157 = arith.muli %shift_right_arithmetic3A_1154, %mul3A_1156 : vector<16xi32>
    %shift_right_arithmetic3A_1158 = arith.constant 7 : i32
    %shift_right_arithmetic3A_1159 = vector.broadcast %shift_right_arithmetic3A_1158 : i32 to vector<16xi32>
    %shift_right_arithmetic3A_1160 = arith.shrsi %add3A_1148, %shift_right_arithmetic3A_1159 : vector<16xi32>
    %mul3A_1161 = arith.constant 1024 : i32
    %mul3A_1162 = vector.broadcast %mul3A_1161 : i32 to vector<16xi32>
    %mul3A_1163 = arith.muli %shift_right_arithmetic3A_1160, %mul3A_1162 : vector<16xi32>
    %add3A_1164 = arith.addi %mul3A_1157, %mul3A_1163 : vector<16xi32>
    %and3A_1165 = arith.constant 7 : i32
    %and3A_1166 = vector.broadcast %and3A_1165 : i32 to vector<16xi32>
    %and3A_1167 = arith.andi %get3A_1151, %and3A_1166 : vector<16xi32>
    %shift_left3A_1168 = arith.constant 7 : i32
    %shift_left3A_1169 = vector.broadcast %shift_left3A_1168 : i32 to vector<16xi32>
    %shift_left3A_1170 = arith.shli %and3A_1167, %shift_left3A_1169 : vector<16xi32>
    %add3A_1171 = arith.addi %add3A_1164, %shift_left3A_1170 : vector<16xi32>
    %and3A_1172 = arith.constant 127 : i32
    %and3A_1173 = vector.broadcast %and3A_1172 : i32 to vector<16xi32>
    %and3A_1174 = arith.andi %add3A_1148, %and3A_1173 : vector<16xi32>
    %add3A_1175 = arith.addi %add3A_1171, %and3A_1174 : vector<16xi32>
    %swap3A_1176 = arith.constant 448 : index
    %swap3A_1177 = tpu.vector_load %arg6[%swap3A_1176] {strides = array<i32>} : memref<512xi32, #tpu.memory_space<vmem>>, vector<16xi32>,
    %swap3A_1178 = vector.shape_cast %swap3A_1177 : vector<16xi32> to vector<16xi32>
    %swap3A_1179 = vector.shape_cast %add3A_1175 : vector<16xi32> to vector<16xi32>
    tpu.vector_store %arg6[%swap3A_1176], %swap3A_1179 {strides = array<i32>} : memref<512xi32, #tpu.memory_space<vmem>>, vector<16xi32>,
    %broadcast_in_dim3A_1180 = arith.constant 1.000000e+00 : f32
    %broadcast_in_dim3A_1181 = vector.broadcast %broadcast_in_dim3A_1180 : f32 to vector<16xf32>
    %swap3A_1182 = arith.constant 448 : index
    %swap3A_1183 = tpu.vector_load %arg7[%swap3A_1182] {strides = array<i32>} : memref<512xf32, #tpu.memory_space<vmem>>, vector<16xf32>,
    %swap3A_1184 = vector.shape_cast %swap3A_1183 : vector<16xf32> to vector<16xf32>
    %swap3A_1185 = vector.shape_cast %broadcast_in_dim3A_1181 : vector<16xf32> to vector<16xf32>
    tpu.vector_store %arg7[%swap3A_1182], %swap3A_1185 {strides = array<i32>} : memref<512xf32, #tpu.memory_space<vmem>>, vector<16xf32>,
    %add3A_1186 = arith.constant 464 : i32
    %add3A_1187 = arith.addi %mul3A_2, %add3A_1186 : i32
    %add3A_1188 = vector.broadcast %add3A_1187 : i32 to vector<16xi32>
    %add3A_1189 = arith.addi %add3A_1188, %iota3A : vector<16xi32>
    %get3A_1190 = arith.constant 464 : index
    %get3A_1191 = tpu.vector_load %arg5[%get3A_1190] {strides = array<i32>} : memref<512xi32, #tpu.memory_space<vmem>>, vector<16xi32>,
    %get3A_1192 = vector.shape_cast %get3A_1191 : vector<16xi32> to vector<16xi32>
    %shift_right_arithmetic3A_1193 = arith.constant 3 : i32
    %shift_right_arithmetic3A_1194 = vector.broadcast %shift_right_arithmetic3A_1193 : i32 to vector<16xi32>
    %shift_right_arithmetic3A_1195 = arith.shrsi %get3A_1192, %shift_right_arithmetic3A_1194 : vector<16xi32>
    %mul3A_1196 = arith.constant 131072 : i32
    %mul3A_1197 = vector.broadcast %mul3A_1196 : i32 to vector<16xi32>
    %mul3A_1198 = arith.muli %shift_right_arithmetic3A_1195, %mul3A_1197 : vector<16xi32>
    %shift_right_arithmetic3A_1199 = arith.constant 7 : i32
    %shift_right_arithmetic3A_1200 = vector.broadcast %shift_right_arithmetic3A_1199 : i32 to vector<16xi32>
    %shift_right_arithmetic3A_1201 = arith.shrsi %add3A_1189, %shift_right_arithmetic3A_1200 : vector<16xi32>
    %mul3A_1202 = arith.constant 1024 : i32
    %mul3A_1203 = vector.broadcast %mul3A_1202 : i32 to vector<16xi32>
    %mul3A_1204 = arith.muli %shift_right_arithmetic3A_1201, %mul3A_1203 : vector<16xi32>
    %add3A_1205 = arith.addi %mul3A_1198, %mul3A_1204 : vector<16xi32>
    %and3A_1206 = arith.constant 7 : i32
    %and3A_1207 = vector.broadcast %and3A_1206 : i32 to vector<16xi32>
    %and3A_1208 = arith.andi %get3A_1192, %and3A_1207 : vector<16xi32>
    %shift_left3A_1209 = arith.constant 7 : i32
    %shift_left3A_1210 = vector.broadcast %shift_left3A_1209 : i32 to vector<16xi32>
    %shift_left3A_1211 = arith.shli %and3A_1208, %shift_left3A_1210 : vector<16xi32>
    %add3A_1212 = arith.addi %add3A_1205, %shift_left3A_1211 : vector<16xi32>
    %and3A_1213 = arith.constant 127 : i32
    %and3A_1214 = vector.broadcast %and3A_1213 : i32 to vector<16xi32>
    %and3A_1215 = arith.andi %add3A_1189, %and3A_1214 : vector<16xi32>
    %add3A_1216 = arith.addi %add3A_1212, %and3A_1215 : vector<16xi32>
    %swap3A_1217 = arith.constant 464 : index
    %swap3A_1218 = tpu.vector_load %arg6[%swap3A_1217] {strides = array<i32>} : memref<512xi32, #tpu.memory_space<vmem>>, vector<16xi32>,
    %swap3A_1219 = vector.shape_cast %swap3A_1218 : vector<16xi32> to vector<16xi32>
    %swap3A_1220 = vector.shape_cast %add3A_1216 : vector<16xi32> to vector<16xi32>
    tpu.vector_store %arg6[%swap3A_1217], %swap3A_1220 {strides = array<i32>} : memref<512xi32, #tpu.memory_space<vmem>>, vector<16xi32>,
    %broadcast_in_dim3A_1221 = arith.constant 1.000000e+00 : f32
    %broadcast_in_dim3A_1222 = vector.broadcast %broadcast_in_dim3A_1221 : f32 to vector<16xf32>
    %swap3A_1223 = arith.constant 464 : index
    %swap3A_1224 = tpu.vector_load %arg7[%swap3A_1223] {strides = array<i32>} : memref<512xf32, #tpu.memory_space<vmem>>, vector<16xf32>,
    %swap3A_1225 = vector.shape_cast %swap3A_1224 : vector<16xf32> to vector<16xf32>
    %swap3A_1226 = vector.shape_cast %broadcast_in_dim3A_1222 : vector<16xf32> to vector<16xf32>
    tpu.vector_store %arg7[%swap3A_1223], %swap3A_1226 {strides = array<i32>} : memref<512xf32, #tpu.memory_space<vmem>>, vector<16xf32>,
    %add3A_1227 = arith.constant 480 : i32
    %add3A_1228 = arith.addi %mul3A_2, %add3A_1227 : i32
    %add3A_1229 = vector.broadcast %add3A_1228 : i32 to vector<16xi32>
    %add3A_1230 = arith.addi %add3A_1229, %iota3A : vector<16xi32>
    %get3A_1231 = arith.constant 480 : index
    %get3A_1232 = tpu.vector_load %arg5[%get3A_1231] {strides = array<i32>} : memref<512xi32, #tpu.memory_space<vmem>>, vector<16xi32>,
    %get3A_1233 = vector.shape_cast %get3A_1232 : vector<16xi32> to vector<16xi32>
    %shift_right_arithmetic3A_1234 = arith.constant 3 : i32
    %shift_right_arithmetic3A_1235 = vector.broadcast %shift_right_arithmetic3A_1234 : i32 to vector<16xi32>
    %shift_right_arithmetic3A_1236 = arith.shrsi %get3A_1233, %shift_right_arithmetic3A_1235 : vector<16xi32>
    %mul3A_1237 = arith.constant 131072 : i32
    %mul3A_1238 = vector.broadcast %mul3A_1237 : i32 to vector<16xi32>
    %mul3A_1239 = arith.muli %shift_right_arithmetic3A_1236, %mul3A_1238 : vector<16xi32>
    %shift_right_arithmetic3A_1240 = arith.constant 7 : i32
    %shift_right_arithmetic3A_1241 = vector.broadcast %shift_right_arithmetic3A_1240 : i32 to vector<16xi32>
    %shift_right_arithmetic3A_1242 = arith.shrsi %add3A_1230, %shift_right_arithmetic3A_1241 : vector<16xi32>
    %mul3A_1243 = arith.constant 1024 : i32
    %mul3A_1244 = vector.broadcast %mul3A_1243 : i32 to vector<16xi32>
    %mul3A_1245 = arith.muli %shift_right_arithmetic3A_1242, %mul3A_1244 : vector<16xi32>
    %add3A_1246 = arith.addi %mul3A_1239, %mul3A_1245 : vector<16xi32>
    %and3A_1247 = arith.constant 7 : i32
    %and3A_1248 = vector.broadcast %and3A_1247 : i32 to vector<16xi32>
    %and3A_1249 = arith.andi %get3A_1233, %and3A_1248 : vector<16xi32>
    %shift_left3A_1250 = arith.constant 7 : i32
    %shift_left3A_1251 = vector.broadcast %shift_left3A_1250 : i32 to vector<16xi32>
    %shift_left3A_1252 = arith.shli %and3A_1249, %shift_left3A_1251 : vector<16xi32>
    %add3A_1253 = arith.addi %add3A_1246, %shift_left3A_1252 : vector<16xi32>
    %and3A_1254 = arith.constant 127 : i32
    %and3A_1255 = vector.broadcast %and3A_1254 : i32 to vector<16xi32>
    %and3A_1256 = arith.andi %add3A_1230, %and3A_1255 : vector<16xi32>
    %add3A_1257 = arith.addi %add3A_1253, %and3A_1256 : vector<16xi32>
    %swap3A_1258 = arith.constant 480 : index
    %swap3A_1259 = tpu.vector_load %arg6[%swap3A_1258] {strides = array<i32>} : memref<512xi32, #tpu.memory_space<vmem>>, vector<16xi32>,
    %swap3A_1260 = vector.shape_cast %swap3A_1259 : vector<16xi32> to vector<16xi32>
    %swap3A_1261 = vector.shape_cast %add3A_1257 : vector<16xi32> to vector<16xi32>
    tpu.vector_store %arg6[%swap3A_1258], %swap3A_1261 {strides = array<i32>} : memref<512xi32, #tpu.memory_space<vmem>>, vector<16xi32>,
    %broadcast_in_dim3A_1262 = arith.constant 1.000000e+00 : f32
    %broadcast_in_dim3A_1263 = vector.broadcast %broadcast_in_dim3A_1262 : f32 to vector<16xf32>
    %swap3A_1264 = arith.constant 480 : index
    %swap3A_1265 = tpu.vector_load %arg7[%swap3A_1264] {strides = array<i32>} : memref<512xf32, #tpu.memory_space<vmem>>, vector<16xf32>,
    %swap3A_1266 = vector.shape_cast %swap3A_1265 : vector<16xf32> to vector<16xf32>
    %swap3A_1267 = vector.shape_cast %broadcast_in_dim3A_1263 : vector<16xf32> to vector<16xf32>
    tpu.vector_store %arg7[%swap3A_1264], %swap3A_1267 {strides = array<i32>} : memref<512xf32, #tpu.memory_space<vmem>>, vector<16xf32>,
    %add3A_1268 = arith.constant 496 : i32
    %add3A_1269 = arith.addi %mul3A_2, %add3A_1268 : i32
    %add3A_1270 = vector.broadcast %add3A_1269 : i32 to vector<16xi32>
    %add3A_1271 = arith.addi %add3A_1270, %iota3A : vector<16xi32>
    %get3A_1272 = arith.constant 496 : index
    %get3A_1273 = tpu.vector_load %arg5[%get3A_1272] {strides = array<i32>} : memref<512xi32, #tpu.memory_space<vmem>>, vector<16xi32>,
    %get3A_1274 = vector.shape_cast %get3A_1273 : vector<16xi32> to vector<16xi32>
    %shift_right_arithmetic3A_1275 = arith.constant 3 : i32
    %shift_right_arithmetic3A_1276 = vector.broadcast %shift_right_arithmetic3A_1275 : i32 to vector<16xi32>
    %shift_right_arithmetic3A_1277 = arith.shrsi %get3A_1274, %shift_right_arithmetic3A_1276 : vector<16xi32>
    %mul3A_1278 = arith.constant 131072 : i32
    %mul3A_1279 = vector.broadcast %mul3A_1278 : i32 to vector<16xi32>
    %mul3A_1280 = arith.muli %shift_right_arithmetic3A_1277, %mul3A_1279 : vector<16xi32>
    %shift_right_arithmetic3A_1281 = arith.constant 7 : i32
    %shift_right_arithmetic3A_1282 = vector.broadcast %shift_right_arithmetic3A_1281 : i32 to vector<16xi32>
    %shift_right_arithmetic3A_1283 = arith.shrsi %add3A_1271, %shift_right_arithmetic3A_1282 : vector<16xi32>
    %mul3A_1284 = arith.constant 1024 : i32
    %mul3A_1285 = vector.broadcast %mul3A_1284 : i32 to vector<16xi32>
    %mul3A_1286 = arith.muli %shift_right_arithmetic3A_1283, %mul3A_1285 : vector<16xi32>
    %add3A_1287 = arith.addi %mul3A_1280, %mul3A_1286 : vector<16xi32>
    %and3A_1288 = arith.constant 7 : i32
    %and3A_1289 = vector.broadcast %and3A_1288 : i32 to vector<16xi32>
    %and3A_1290 = arith.andi %get3A_1274, %and3A_1289 : vector<16xi32>
    %shift_left3A_1291 = arith.constant 7 : i32
    %shift_left3A_1292 = vector.broadcast %shift_left3A_1291 : i32 to vector<16xi32>
    %shift_left3A_1293 = arith.shli %and3A_1290, %shift_left3A_1292 : vector<16xi32>
    %add3A_1294 = arith.addi %add3A_1287, %shift_left3A_1293 : vector<16xi32>
    %and3A_1295 = arith.constant 127 : i32
    %and3A_1296 = vector.broadcast %and3A_1295 : i32 to vector<16xi32>
    %and3A_1297 = arith.andi %add3A_1271, %and3A_1296 : vector<16xi32>
    %add3A_1298 = arith.addi %add3A_1294, %and3A_1297 : vector<16xi32>
    %swap3A_1299 = arith.constant 496 : index
    %swap3A_1300 = tpu.vector_load %arg6[%swap3A_1299] {strides = array<i32>} : memref<512xi32, #tpu.memory_space<vmem>>, vector<16xi32>,
    %swap3A_1301 = vector.shape_cast %swap3A_1300 : vector<16xi32> to vector<16xi32>
    %swap3A_1302 = vector.shape_cast %add3A_1298 : vector<16xi32> to vector<16xi32>
    tpu.vector_store %arg6[%swap3A_1299], %swap3A_1302 {strides = array<i32>} : memref<512xi32, #tpu.memory_space<vmem>>, vector<16xi32>,
    %broadcast_in_dim3A_1303 = arith.constant 1.000000e+00 : f32
    %broadcast_in_dim3A_1304 = vector.broadcast %broadcast_in_dim3A_1303 : f32 to vector<16xf32>
    %swap3A_1305 = arith.constant 496 : index
    %swap3A_1306 = tpu.vector_load %arg7[%swap3A_1305] {strides = array<i32>} : memref<512xf32, #tpu.memory_space<vmem>>, vector<16xf32>,
    %swap3A_1307 = vector.shape_cast %swap3A_1306 : vector<16xf32> to vector<16xf32>
    %swap3A_1308 = vector.shape_cast %broadcast_in_dim3A_1304 : vector<16xf32> to vector<16xf32>
    tpu.vector_store %arg7[%swap3A_1305], %swap3A_1308 {strides = array<i32>} : memref<512xf32, #tpu.memory_space<vmem>>, vector<16xf32>,
    %dma_start3A = arith.constant 0 : i32
    %dma_start3A_1309 = tpu.memref_slice %arg4[%dma_start3A] : memref<16384000xf32, #tpu.memory_space<hbm>> -> memref<16384000xf32, #tpu.memory_space<hbm>>
    tpu.enqueue_indirect_dma source(%arg7 : memref<512xf32, #tpu.memory_space<vmem>>) target(%dma_start3A_1309 : memref<16384000xf32, #tpu.memory_space<hbm>>) offsets(%arg6 : memref<512xi32, #tpu.memory_space<vmem>>) semaphore(%arg8 : memref<!tpu.dma_semaphore, #tpu.memory_space<semaphore_mem>>)
    %dma_wait3A = arith.constant 0 : i32
    %dma_wait3A_1310 = tpu.memref_slice %arg4[%dma_wait3A] : memref<16384000xf32, #tpu.memory_space<hbm>> -> memref<16384000xf32, #tpu.memory_space<hbm>>
    tpu.wait_indirect_dma semaphore(%arg8 : memref<!tpu.dma_semaphore, #tpu.memory_space<semaphore_mem>>) src(%arg7 : memref<512xf32, #tpu.memory_space<vmem>>) dst(%dma_wait3A_1310 : memref<16384000xf32, #tpu.memory_space<hbm>>)
    return
  }
}

module attributes {stable_mosaic.version = 14 : i64} {
  func.func @_zero_body(%arg0: memref<128000x128xf32, #tpu.memory_space<any>>, %arg1: memref<8000x128xf32, #tpu.memory_space<vmem>>, %arg2: memref<!tpu.dma_semaphore, #tpu.memory_space<semaphore_mem>>) attributes {dimension_semantics = [], scalar_prefetch = 0 : i64, scratch_operands = 2 : i64, tpu.core_type = #tpu.core_type<tc>} {
    %broadcast_in_dim3A = arith.constant 0.000000e+00 : f32
    %broadcast_in_dim3A_0 = vector.broadcast %broadcast_in_dim3A : f32 to vector<8000x128xf32>
    %swap3A = arith.constant 0 : index
    %swap3A_1 = arith.constant 0 : index
    %swap3A_2 = vector.load %arg1[%swap3A, %swap3A_1] : memref<8000x128xf32, #tpu.memory_space<vmem>>, vector<8000x128xf32>
    tpu.vector_store %arg1[%swap3A, %swap3A_1], %broadcast_in_dim3A_0 {strides = array<i32>} : memref<8000x128xf32, #tpu.memory_space<vmem>>, vector<8000x128xf32>,
    %dma_start3A = arith.constant 0 : i32
    %dma_start3A_3 = arith.constant 0 : i32
    %dma_start3A_4 = tpu.memref_slice %arg0[%dma_start3A, %dma_start3A_3] : memref<128000x128xf32, #tpu.memory_space<any>> -> memref<8000x128xf32, #tpu.memory_space<any>>
    tpu.enqueue_dma source(%arg1 : memref<8000x128xf32, #tpu.memory_space<vmem>>) target(%dma_start3A_4 : memref<8000x128xf32, #tpu.memory_space<any>>) target_semaphore(%arg2 : memref<!tpu.dma_semaphore, #tpu.memory_space<semaphore_mem>>)
    %dma_start3A_5 = arith.constant 8000 : i32
    %dma_start3A_6 = arith.constant 0 : i32
    %dma_start3A_7 = tpu.memref_slice %arg0[%dma_start3A_5, %dma_start3A_6] : memref<128000x128xf32, #tpu.memory_space<any>> -> memref<8000x128xf32, #tpu.memory_space<any>>
    tpu.enqueue_dma source(%arg1 : memref<8000x128xf32, #tpu.memory_space<vmem>>) target(%dma_start3A_7 : memref<8000x128xf32, #tpu.memory_space<any>>) target_semaphore(%arg2 : memref<!tpu.dma_semaphore, #tpu.memory_space<semaphore_mem>>)
    %dma_start3A_8 = arith.constant 16000 : i32
    %dma_start3A_9 = arith.constant 0 : i32
    %dma_start3A_10 = tpu.memref_slice %arg0[%dma_start3A_8, %dma_start3A_9] : memref<128000x128xf32, #tpu.memory_space<any>> -> memref<8000x128xf32, #tpu.memory_space<any>>
    tpu.enqueue_dma source(%arg1 : memref<8000x128xf32, #tpu.memory_space<vmem>>) target(%dma_start3A_10 : memref<8000x128xf32, #tpu.memory_space<any>>) target_semaphore(%arg2 : memref<!tpu.dma_semaphore, #tpu.memory_space<semaphore_mem>>)
    %dma_start3A_11 = arith.constant 24000 : i32
    %dma_start3A_12 = arith.constant 0 : i32
    %dma_start3A_13 = tpu.memref_slice %arg0[%dma_start3A_11, %dma_start3A_12] : memref<128000x128xf32, #tpu.memory_space<any>> -> memref<8000x128xf32, #tpu.memory_space<any>>
    tpu.enqueue_dma source(%arg1 : memref<8000x128xf32, #tpu.memory_space<vmem>>) target(%dma_start3A_13 : memref<8000x128xf32, #tpu.memory_space<any>>) target_semaphore(%arg2 : memref<!tpu.dma_semaphore, #tpu.memory_space<semaphore_mem>>)
    %dma_start3A_14 = arith.constant 32000 : i32
    %dma_start3A_15 = arith.constant 0 : i32
    %dma_start3A_16 = tpu.memref_slice %arg0[%dma_start3A_14, %dma_start3A_15] : memref<128000x128xf32, #tpu.memory_space<any>> -> memref<8000x128xf32, #tpu.memory_space<any>>
    tpu.enqueue_dma source(%arg1 : memref<8000x128xf32, #tpu.memory_space<vmem>>) target(%dma_start3A_16 : memref<8000x128xf32, #tpu.memory_space<any>>) target_semaphore(%arg2 : memref<!tpu.dma_semaphore, #tpu.memory_space<semaphore_mem>>)
    %dma_start3A_17 = arith.constant 40000 : i32
    %dma_start3A_18 = arith.constant 0 : i32
    %dma_start3A_19 = tpu.memref_slice %arg0[%dma_start3A_17, %dma_start3A_18] : memref<128000x128xf32, #tpu.memory_space<any>> -> memref<8000x128xf32, #tpu.memory_space<any>>
    tpu.enqueue_dma source(%arg1 : memref<8000x128xf32, #tpu.memory_space<vmem>>) target(%dma_start3A_19 : memref<8000x128xf32, #tpu.memory_space<any>>) target_semaphore(%arg2 : memref<!tpu.dma_semaphore, #tpu.memory_space<semaphore_mem>>)
    %dma_start3A_20 = arith.constant 48000 : i32
    %dma_start3A_21 = arith.constant 0 : i32
    %dma_start3A_22 = tpu.memref_slice %arg0[%dma_start3A_20, %dma_start3A_21] : memref<128000x128xf32, #tpu.memory_space<any>> -> memref<8000x128xf32, #tpu.memory_space<any>>
    tpu.enqueue_dma source(%arg1 : memref<8000x128xf32, #tpu.memory_space<vmem>>) target(%dma_start3A_22 : memref<8000x128xf32, #tpu.memory_space<any>>) target_semaphore(%arg2 : memref<!tpu.dma_semaphore, #tpu.memory_space<semaphore_mem>>)
    %dma_start3A_23 = arith.constant 56000 : i32
    %dma_start3A_24 = arith.constant 0 : i32
    %dma_start3A_25 = tpu.memref_slice %arg0[%dma_start3A_23, %dma_start3A_24] : memref<128000x128xf32, #tpu.memory_space<any>> -> memref<8000x128xf32, #tpu.memory_space<any>>
    tpu.enqueue_dma source(%arg1 : memref<8000x128xf32, #tpu.memory_space<vmem>>) target(%dma_start3A_25 : memref<8000x128xf32, #tpu.memory_space<any>>) target_semaphore(%arg2 : memref<!tpu.dma_semaphore, #tpu.memory_space<semaphore_mem>>)
    %dma_start3A_26 = arith.constant 64000 : i32
    %dma_start3A_27 = arith.constant 0 : i32
    %dma_start3A_28 = tpu.memref_slice %arg0[%dma_start3A_26, %dma_start3A_27] : memref<128000x128xf32, #tpu.memory_space<any>> -> memref<8000x128xf32, #tpu.memory_space<any>>
    tpu.enqueue_dma source(%arg1 : memref<8000x128xf32, #tpu.memory_space<vmem>>) target(%dma_start3A_28 : memref<8000x128xf32, #tpu.memory_space<any>>) target_semaphore(%arg2 : memref<!tpu.dma_semaphore, #tpu.memory_space<semaphore_mem>>)
    %dma_start3A_29 = arith.constant 72000 : i32
    %dma_start3A_30 = arith.constant 0 : i32
    %dma_start3A_31 = tpu.memref_slice %arg0[%dma_start3A_29, %dma_start3A_30] : memref<128000x128xf32, #tpu.memory_space<any>> -> memref<8000x128xf32, #tpu.memory_space<any>>
    tpu.enqueue_dma source(%arg1 : memref<8000x128xf32, #tpu.memory_space<vmem>>) target(%dma_start3A_31 : memref<8000x128xf32, #tpu.memory_space<any>>) target_semaphore(%arg2 : memref<!tpu.dma_semaphore, #tpu.memory_space<semaphore_mem>>)
    %dma_start3A_32 = arith.constant 80000 : i32
    %dma_start3A_33 = arith.constant 0 : i32
    %dma_start3A_34 = tpu.memref_slice %arg0[%dma_start3A_32, %dma_start3A_33] : memref<128000x128xf32, #tpu.memory_space<any>> -> memref<8000x128xf32, #tpu.memory_space<any>>
    tpu.enqueue_dma source(%arg1 : memref<8000x128xf32, #tpu.memory_space<vmem>>) target(%dma_start3A_34 : memref<8000x128xf32, #tpu.memory_space<any>>) target_semaphore(%arg2 : memref<!tpu.dma_semaphore, #tpu.memory_space<semaphore_mem>>)
    %dma_start3A_35 = arith.constant 88000 : i32
    %dma_start3A_36 = arith.constant 0 : i32
    %dma_start3A_37 = tpu.memref_slice %arg0[%dma_start3A_35, %dma_start3A_36] : memref<128000x128xf32, #tpu.memory_space<any>> -> memref<8000x128xf32, #tpu.memory_space<any>>
    tpu.enqueue_dma source(%arg1 : memref<8000x128xf32, #tpu.memory_space<vmem>>) target(%dma_start3A_37 : memref<8000x128xf32, #tpu.memory_space<any>>) target_semaphore(%arg2 : memref<!tpu.dma_semaphore, #tpu.memory_space<semaphore_mem>>)
    %dma_start3A_38 = arith.constant 96000 : i32
    %dma_start3A_39 = arith.constant 0 : i32
    %dma_start3A_40 = tpu.memref_slice %arg0[%dma_start3A_38, %dma_start3A_39] : memref<128000x128xf32, #tpu.memory_space<any>> -> memref<8000x128xf32, #tpu.memory_space<any>>
    tpu.enqueue_dma source(%arg1 : memref<8000x128xf32, #tpu.memory_space<vmem>>) target(%dma_start3A_40 : memref<8000x128xf32, #tpu.memory_space<any>>) target_semaphore(%arg2 : memref<!tpu.dma_semaphore, #tpu.memory_space<semaphore_mem>>)
    %dma_start3A_41 = arith.constant 104000 : i32
    %dma_start3A_42 = arith.constant 0 : i32
    %dma_start3A_43 = tpu.memref_slice %arg0[%dma_start3A_41, %dma_start3A_42] : memref<128000x128xf32, #tpu.memory_space<any>> -> memref<8000x128xf32, #tpu.memory_space<any>>
    tpu.enqueue_dma source(%arg1 : memref<8000x128xf32, #tpu.memory_space<vmem>>) target(%dma_start3A_43 : memref<8000x128xf32, #tpu.memory_space<any>>) target_semaphore(%arg2 : memref<!tpu.dma_semaphore, #tpu.memory_space<semaphore_mem>>)
    %dma_start3A_44 = arith.constant 112000 : i32
    %dma_start3A_45 = arith.constant 0 : i32
    %dma_start3A_46 = tpu.memref_slice %arg0[%dma_start3A_44, %dma_start3A_45] : memref<128000x128xf32, #tpu.memory_space<any>> -> memref<8000x128xf32, #tpu.memory_space<any>>
    tpu.enqueue_dma source(%arg1 : memref<8000x128xf32, #tpu.memory_space<vmem>>) target(%dma_start3A_46 : memref<8000x128xf32, #tpu.memory_space<any>>) target_semaphore(%arg2 : memref<!tpu.dma_semaphore, #tpu.memory_space<semaphore_mem>>)
    %dma_start3A_47 = arith.constant 120000 : i32
    %dma_start3A_48 = arith.constant 0 : i32
    %dma_start3A_49 = tpu.memref_slice %arg0[%dma_start3A_47, %dma_start3A_48] : memref<128000x128xf32, #tpu.memory_space<any>> -> memref<8000x128xf32, #tpu.memory_space<any>>
    tpu.enqueue_dma source(%arg1 : memref<8000x128xf32, #tpu.memory_space<vmem>>) target(%dma_start3A_49 : memref<8000x128xf32, #tpu.memory_space<any>>) target_semaphore(%arg2 : memref<!tpu.dma_semaphore, #tpu.memory_space<semaphore_mem>>)
    %dma_wait3A = arith.constant 0 : i32
    %dma_wait3A_50 = arith.constant 0 : i32
    %dma_wait3A_51 = tpu.memref_slice %arg0[%dma_wait3A, %dma_wait3A_50] : memref<128000x128xf32, #tpu.memory_space<any>> -> memref<8000x128xf32, #tpu.memory_space<any>>
    tpu.wait_dma2 semaphore(%arg2 : memref<!tpu.dma_semaphore, #tpu.memory_space<semaphore_mem>>) src(%arg1 : memref<8000x128xf32, #tpu.memory_space<vmem>>) dst(%dma_wait3A_51 : memref<8000x128xf32, #tpu.memory_space<any>>)
    %dma_wait3A_52 = arith.constant 8000 : i32
    %dma_wait3A_53 = arith.constant 0 : i32
    %dma_wait3A_54 = tpu.memref_slice %arg0[%dma_wait3A_52, %dma_wait3A_53] : memref<128000x128xf32, #tpu.memory_space<any>> -> memref<8000x128xf32, #tpu.memory_space<any>>
    tpu.wait_dma2 semaphore(%arg2 : memref<!tpu.dma_semaphore, #tpu.memory_space<semaphore_mem>>) src(%arg1 : memref<8000x128xf32, #tpu.memory_space<vmem>>) dst(%dma_wait3A_54 : memref<8000x128xf32, #tpu.memory_space<any>>)
    %dma_wait3A_55 = arith.constant 16000 : i32
    %dma_wait3A_56 = arith.constant 0 : i32
    %dma_wait3A_57 = tpu.memref_slice %arg0[%dma_wait3A_55, %dma_wait3A_56] : memref<128000x128xf32, #tpu.memory_space<any>> -> memref<8000x128xf32, #tpu.memory_space<any>>
    tpu.wait_dma2 semaphore(%arg2 : memref<!tpu.dma_semaphore, #tpu.memory_space<semaphore_mem>>) src(%arg1 : memref<8000x128xf32, #tpu.memory_space<vmem>>) dst(%dma_wait3A_57 : memref<8000x128xf32, #tpu.memory_space<any>>)
    %dma_wait3A_58 = arith.constant 24000 : i32
    %dma_wait3A_59 = arith.constant 0 : i32
    %dma_wait3A_60 = tpu.memref_slice %arg0[%dma_wait3A_58, %dma_wait3A_59] : memref<128000x128xf32, #tpu.memory_space<any>> -> memref<8000x128xf32, #tpu.memory_space<any>>
    tpu.wait_dma2 semaphore(%arg2 : memref<!tpu.dma_semaphore, #tpu.memory_space<semaphore_mem>>) src(%arg1 : memref<8000x128xf32, #tpu.memory_space<vmem>>) dst(%dma_wait3A_60 : memref<8000x128xf32, #tpu.memory_space<any>>)
    %dma_wait3A_61 = arith.constant 32000 : i32
    %dma_wait3A_62 = arith.constant 0 : i32
    %dma_wait3A_63 = tpu.memref_slice %arg0[%dma_wait3A_61, %dma_wait3A_62] : memref<128000x128xf32, #tpu.memory_space<any>> -> memref<8000x128xf32, #tpu.memory_space<any>>
    tpu.wait_dma2 semaphore(%arg2 : memref<!tpu.dma_semaphore, #tpu.memory_space<semaphore_mem>>) src(%arg1 : memref<8000x128xf32, #tpu.memory_space<vmem>>) dst(%dma_wait3A_63 : memref<8000x128xf32, #tpu.memory_space<any>>)
    %dma_wait3A_64 = arith.constant 40000 : i32
    %dma_wait3A_65 = arith.constant 0 : i32
    %dma_wait3A_66 = tpu.memref_slice %arg0[%dma_wait3A_64, %dma_wait3A_65] : memref<128000x128xf32, #tpu.memory_space<any>> -> memref<8000x128xf32, #tpu.memory_space<any>>
    tpu.wait_dma2 semaphore(%arg2 : memref<!tpu.dma_semaphore, #tpu.memory_space<semaphore_mem>>) src(%arg1 : memref<8000x128xf32, #tpu.memory_space<vmem>>) dst(%dma_wait3A_66 : memref<8000x128xf32, #tpu.memory_space<any>>)
    %dma_wait3A_67 = arith.constant 48000 : i32
    %dma_wait3A_68 = arith.constant 0 : i32
    %dma_wait3A_69 = tpu.memref_slice %arg0[%dma_wait3A_67, %dma_wait3A_68] : memref<128000x128xf32, #tpu.memory_space<any>> -> memref<8000x128xf32, #tpu.memory_space<any>>
    tpu.wait_dma2 semaphore(%arg2 : memref<!tpu.dma_semaphore, #tpu.memory_space<semaphore_mem>>) src(%arg1 : memref<8000x128xf32, #tpu.memory_space<vmem>>) dst(%dma_wait3A_69 : memref<8000x128xf32, #tpu.memory_space<any>>)
    %dma_wait3A_70 = arith.constant 56000 : i32
    %dma_wait3A_71 = arith.constant 0 : i32
    %dma_wait3A_72 = tpu.memref_slice %arg0[%dma_wait3A_70, %dma_wait3A_71] : memref<128000x128xf32, #tpu.memory_space<any>> -> memref<8000x128xf32, #tpu.memory_space<any>>
    tpu.wait_dma2 semaphore(%arg2 : memref<!tpu.dma_semaphore, #tpu.memory_space<semaphore_mem>>) src(%arg1 : memref<8000x128xf32, #tpu.memory_space<vmem>>) dst(%dma_wait3A_72 : memref<8000x128xf32, #tpu.memory_space<any>>)
    %dma_wait3A_73 = arith.constant 64000 : i32
    %dma_wait3A_74 = arith.constant 0 : i32
    %dma_wait3A_75 = tpu.memref_slice %arg0[%dma_wait3A_73, %dma_wait3A_74] : memref<128000x128xf32, #tpu.memory_space<any>> -> memref<8000x128xf32, #tpu.memory_space<any>>
    tpu.wait_dma2 semaphore(%arg2 : memref<!tpu.dma_semaphore, #tpu.memory_space<semaphore_mem>>) src(%arg1 : memref<8000x128xf32, #tpu.memory_space<vmem>>) dst(%dma_wait3A_75 : memref<8000x128xf32, #tpu.memory_space<any>>)
    %dma_wait3A_76 = arith.constant 72000 : i32
    %dma_wait3A_77 = arith.constant 0 : i32
    %dma_wait3A_78 = tpu.memref_slice %arg0[%dma_wait3A_76, %dma_wait3A_77] : memref<128000x128xf32, #tpu.memory_space<any>> -> memref<8000x128xf32, #tpu.memory_space<any>>
    tpu.wait_dma2 semaphore(%arg2 : memref<!tpu.dma_semaphore, #tpu.memory_space<semaphore_mem>>) src(%arg1 : memref<8000x128xf32, #tpu.memory_space<vmem>>) dst(%dma_wait3A_78 : memref<8000x128xf32, #tpu.memory_space<any>>)
    %dma_wait3A_79 = arith.constant 80000 : i32
    %dma_wait3A_80 = arith.constant 0 : i32
    %dma_wait3A_81 = tpu.memref_slice %arg0[%dma_wait3A_79, %dma_wait3A_80] : memref<128000x128xf32, #tpu.memory_space<any>> -> memref<8000x128xf32, #tpu.memory_space<any>>
    tpu.wait_dma2 semaphore(%arg2 : memref<!tpu.dma_semaphore, #tpu.memory_space<semaphore_mem>>) src(%arg1 : memref<8000x128xf32, #tpu.memory_space<vmem>>) dst(%dma_wait3A_81 : memref<8000x128xf32, #tpu.memory_space<any>>)
    %dma_wait3A_82 = arith.constant 88000 : i32
    %dma_wait3A_83 = arith.constant 0 : i32
    %dma_wait3A_84 = tpu.memref_slice %arg0[%dma_wait3A_82, %dma_wait3A_83] : memref<128000x128xf32, #tpu.memory_space<any>> -> memref<8000x128xf32, #tpu.memory_space<any>>
    tpu.wait_dma2 semaphore(%arg2 : memref<!tpu.dma_semaphore, #tpu.memory_space<semaphore_mem>>) src(%arg1 : memref<8000x128xf32, #tpu.memory_space<vmem>>) dst(%dma_wait3A_84 : memref<8000x128xf32, #tpu.memory_space<any>>)
    %dma_wait3A_85 = arith.constant 96000 : i32
    %dma_wait3A_86 = arith.constant 0 : i32
    %dma_wait3A_87 = tpu.memref_slice %arg0[%dma_wait3A_85, %dma_wait3A_86] : memref<128000x128xf32, #tpu.memory_space<any>> -> memref<8000x128xf32, #tpu.memory_space<any>>
    tpu.wait_dma2 semaphore(%arg2 : memref<!tpu.dma_semaphore, #tpu.memory_space<semaphore_mem>>) src(%arg1 : memref<8000x128xf32, #tpu.memory_space<vmem>>) dst(%dma_wait3A_87 : memref<8000x128xf32, #tpu.memory_space<any>>)
    %dma_wait3A_88 = arith.constant 104000 : i32
    %dma_wait3A_89 = arith.constant 0 : i32
    %dma_wait3A_90 = tpu.memref_slice %arg0[%dma_wait3A_88, %dma_wait3A_89] : memref<128000x128xf32, #tpu.memory_space<any>> -> memref<8000x128xf32, #tpu.memory_space<any>>
    tpu.wait_dma2 semaphore(%arg2 : memref<!tpu.dma_semaphore, #tpu.memory_space<semaphore_mem>>) src(%arg1 : memref<8000x128xf32, #tpu.memory_space<vmem>>) dst(%dma_wait3A_90 : memref<8000x128xf32, #tpu.memory_space<any>>)
    %dma_wait3A_91 = arith.constant 112000 : i32
    %dma_wait3A_92 = arith.constant 0 : i32
    %dma_wait3A_93 = tpu.memref_slice %arg0[%dma_wait3A_91, %dma_wait3A_92] : memref<128000x128xf32, #tpu.memory_space<any>> -> memref<8000x128xf32, #tpu.memory_space<any>>
    tpu.wait_dma2 semaphore(%arg2 : memref<!tpu.dma_semaphore, #tpu.memory_space<semaphore_mem>>) src(%arg1 : memref<8000x128xf32, #tpu.memory_space<vmem>>) dst(%dma_wait3A_93 : memref<8000x128xf32, #tpu.memory_space<any>>)
    %dma_wait3A_94 = arith.constant 120000 : i32
    %dma_wait3A_95 = arith.constant 0 : i32
    %dma_wait3A_96 = tpu.memref_slice %arg0[%dma_wait3A_94, %dma_wait3A_95] : memref<128000x128xf32, #tpu.memory_space<any>> -> memref<8000x128xf32, #tpu.memory_space<any>>
    tpu.wait_dma2 semaphore(%arg2 : memref<!tpu.dma_semaphore, #tpu.memory_space<semaphore_mem>>) src(%arg1 : memref<8000x128xf32, #tpu.memory_space<vmem>>) dst(%dma_wait3A_96 : memref<8000x128xf32, #tpu.memory_space<any>>)
    return
  }
}

</mosaic_0001>

<sc_bundles>
// kernel: kernel.4.cloned.1.call-start
scs
__scs_entry_jumppad:
0x0: {  	(pc) =	sbr.rel $0x88, $3  }
0x1: {  	(tag) =	ssettag $0x0;
	lr =	simm.s32 $0x1  }
0x2: {  	[smem:$0x3FA0] =	sst lr;
	_ =	strace $0xD0000000  }
0x3: {  	_ = 	snop  }
0x4: {  	_ = 	snop  }
0x5: {  	_ = 	snop  }
0x6: {  	_ = 	snop  }
0x7: {  	_ = 	snop  }
__scs_overlays_trampoline_lowered:
0x8: {  	[smem:$0x3FAF] =	sst s0  }
0x9: {  	[smem:$0x3FB0] =	sst s1  }
0xa: {  	[smem:$0x3FB1] =	sst s2  }
0xb: {  	[smem:$0x3FB2] =	sst s3  }
0xc: {  	[smem:$0x3FB3] =	sst s4  }
0xd: {  	[smem:$0x3FB4] =	sst s5  }
0xe: {  	[smem:$0x3FB5] =	sst s6  }
0xf: {  	[smem:$0x3FB6] =	sst s7  }
0x10: {  	[smem:$0x3FB7] =	sst s8  }
0x11: {  	[smem:$0x3FB8] =	sst s9;
	s0 =	simm.s32 @!p0 $0x0  }
0x12: {  	s1 =	sld [smem:$0x3F9E];
	s0 =	simm.s32 @p0 $0x1  }
0x13: {  	[smem:$0x3FB9] =	sst s0;
	s0 =	simm.s32 @!p1 $0x0  }
0x14: {  	s2 =	sld [smem:$0x3F9D];
	s0 =	simm.s32 @p1 $0x1  }
0x15: {  	[smem:$0x3FBA] =	sst s0;
	s0 =	simm.s32 @!p2 $0x0  }
0x16: {  	s3 =	sld [smem:$0x3FDB];
	s0 =	simm.s32 @p2 $0x1  }
0x17: {  	s4 =	simm.s32 $0x1BF5;
	[smem:$0x3FBC] =	sst s0  }
0x18: {  	s0 =	sld [smem:$0x3F9F];
	_ =	swait.ge [sflag:s4], $0x0  }
0x19: {  	s7 =	sld [smem:$0x3FA0]  }
0x1a: {  	s8 =	sadd.s32 $0xFFFFE003, lr  }
0x1b: {  	s9 =	sadd.s32 $0xFFFFFEF7, lr;
	s5 =	simm.s32 $0xFFFFFFFF;
	p2 =	slt.u32 s8, $0xFFFFF086  }
0x1c: {  	p1 =	slt.u32 s9, $0xF7A;
	s5 =	simm.s32 @!p2 $0x0  }
0x1d: {  	s5 =	simm.s32 @p1 $0x1;
	p0 =	seq.s32 s7, s2  }
0x1e: {  	s7 =	smul.u32 @!p0 $0xF7A, s2;
	p2 =	seq.s32 @!p0 s5, $0x0  }
0x1f: {  	s9 =	smul.u32 $0xF7A, s1;
	s8 =	simm.s32 @!p0 $0x1BF5;
	p2 =	por !p2, p0  }
0x20: {  	[sflag:s8] =	ssyncset.s32 @!p0 $0xFFFFF086;
	s6 =	sadd.s32 @!p0 s3, s7;
	s7 =	simm.s32 @!p0 $0x108  }
0x21: {  	s3 =	sadd.s32 s3, s9;
	s6 =	sadd.s32 @!p0 $0x88, s6;
	s7 =	simm.s32 @p2 $0x1082  }
0x22: {  	[simem:s7], [sflag:s8] =	dma.local @!p0 [hbm:s6], $0xF7A  }
0x23: {  	s9 =	sor.u32 $0xD0000000, s2;
	s6 =	simm.s32 $0x108;
	_ =	swait.ge @!p0 [sflag:s8], $0x0  }
0x24: {  	s3 =	sadd.s32 $0x88, s3;
	s6 =	simm.s32 @!p1 $0x1082;
	[sflag:s4] =	ssyncset.s32 $0xFFFFF086  }
0x25: {  	[simem:s6], [sflag:s4] =	dma.local [hbm:s3], $0xF7A  }
0x26: {  	[smem:$0x3FA0] =	sst s1;
	(tag) =	ssettag s2;
	_ =	strace s9  }
0x27: {  	s1 =	sld [smem:$0x3FB0]  }
0x28: {  	s2 =	sld [smem:$0x3FB1]  }
0x29: {  	s4 =	sld [smem:$0x3FB3]  }
0x2a: {  	p0 =	seq.s32 s5, $0x0;
	s5 =	sld [smem:$0x3FB4]  }
0x2b: {  	s6 =	sld [smem:$0x3FB5]  }
0x2c: {  	s7 =	sld [smem:$0x3FB6]  }
0x2d: {  	s3 =	simm.s32 $0x108;
	s8 =	sld [smem:$0x3FB7]  }
0x2e: {  	s3 =	simm.s32 @!p0 $0x1082;
	s9 =	sld [smem:$0x3FB8]  }
0x2f: {  	lr =	sadd.s32 s0, s3;
	s0 =	sld [smem:$0x3FAF]  }
0x30: {  	s3 =	sld [smem:$0x3FB2]  }
0x31: {  	[smem:$0x3FBB] =	sst s10  }
0x32: {  	s10 =	sld [smem:$0x3FB9];
	_ =	sdelay $0x3  }
0x33: {  	p0 =	seq.s32 s10, $0x1;
	s10 =	sld [smem:$0x3FBB];
	_ =	sdelay $0x3  }
0x34: {  	[smem:$0x3FBB] =	sst s10  }
0x35: {  	s10 =	sld [smem:$0x3FBA];
	_ =	sdelay $0x3  }
0x36: {  	p1 =	seq.s32 s10, $0x1;
	s10 =	sld [smem:$0x3FBB];
	_ =	sdelay $0x3  }
0x37: {  	[smem:$0x3FBB] =	sst s10  }
0x38: {  	s10 =	sld [smem:$0x3FBC]  }
0x39: {  	_ = 	snop;
	(pc) =	sbr.ind lr, $3  }
0x3a: {  	_ = 	snop  }
0x3b: {  	_ = 	snop  }
0x3c: {  	p2 =	seq.s32 s10, $0x1;
	s10 =	sld [smem:$0x3FBB]  }
0x3d: {  	_ =	shalt  }
0x3e: {  	_ =	shalt  }
0x3f: {  	_ =	shalt  }
0x40: {  	_ =	shalt  }
0x41: {  	_ =	shalt  }
0x42: {  	_ =	shalt  }
0x43: {  	_ =	shalt  }
0x44: {  	_ =	shalt  }
0x45: {  	_ =	shalt  }
0x46: {  	_ =	shalt  }
0x47: {  	_ =	shalt  }
0x48: {  	_ =	shalt  }
0x49: {  	_ =	shalt  }
0x4a: {  	_ =	shalt  }
0x4b: {  	_ =	shalt  }
0x4c: {  	_ =	shalt  }
0x4d: {  	_ =	shalt  }
0x4e: {  	_ =	shalt  }
0x4f: {  	_ =	shalt  }
0x50: {  	_ =	shalt  }
0x51: {  	_ =	shalt  }
0x52: {  	_ =	shalt  }
0x53: {  	_ =	shalt  }
0x54: {  	_ =	shalt  }
0x55: {  	_ =	shalt  }
0x56: {  	_ =	shalt  }
0x57: {  	_ =	shalt  }
0x58: {  	_ =	shalt  }
0x59: {  	_ =	shalt  }
0x5a: {  	_ =	shalt  }
0x5b: {  	_ =	shalt  }
0x5c: {  	_ =	shalt  }
0x5d: {  	_ =	shalt  }
0x5e: {  	_ =	shalt  }
0x5f: {  	_ =	shalt  }
0x60: {  	_ =	shalt  }
0x61: {  	_ =	shalt  }
0x62: {  	_ =	shalt  }
0x63: {  	_ =	shalt  }
0x64: {  	_ =	shalt  }
0x65: {  	_ =	shalt  }
0x66: {  	_ =	shalt  }
0x67: {  	_ =	shalt  }
0x68: {  	_ =	shalt  }
0x69: {  	_ =	shalt  }
0x6a: {  	_ =	shalt  }
0x6b: {  	_ =	shalt  }
0x6c: {  	_ =	shalt  }
0x6d: {  	_ =	shalt  }
0x6e: {  	_ =	shalt  }
0x6f: {  	_ =	shalt  }
0x70: {  	_ =	shalt  }
0x71: {  	_ =	shalt  }
0x72: {  	_ =	shalt  }
0x73: {  	_ =	shalt  }
0x74: {  	_ =	shalt  }
0x75: {  	_ =	shalt  }
0x76: {  	_ =	shalt  }
0x77: {  	_ =	shalt  }
0x78: {  	_ =	shalt  }
0x79: {  	_ =	shalt  }
0x7a: {  	_ =	shalt  }
0x7b: {  	_ =	shalt  }
0x7c: {  	_ =	shalt  }
0x7d: {  	_ =	shalt  }
0x7e: {  	_ =	shalt  }
0x7f: {  	_ =	shalt  }
0x80: {  	_ =	shalt  }
0x81: {  	_ =	shalt  }
0x82: {  	_ =	shalt  }
0x83: {  	_ =	shalt  }
0x84: {  	_ =	shalt  }
0x85: {  	_ =	shalt  }
0x86: {  	_ =	shalt  }
0x87: {  	_ =	shalt  }
.Lfunc_end0:
.L_simem_size_0:
called_computation_lowered:
.L_overlay_start_0:
0x88: {  	s2 =	sld [smem:$0x3FD9]  }
0x89: {  	s3 =	sld [smem:$0x3FFE];
	_ =	sdelay $0x1  }
0x8a: {  	s1 =	srdreg.scid  }
0x8b: {  	s0 =	sand.u32 $0x1, s1  }
0x8c: {  	s18 =	sshll.u32 s0, $0xA;
	s2 =	sadd.s32 s3, s2  }
0x8d: {  	s2 =	sadd.s32 s2, s18  }
0x8e: {  	[smem:$0x3FC7] =	sst s2  }
0x8f: {  	_ = 	snop  }
0x90: {  	s2 =	sld [smem:$0x3FC9]  }
0x91: {  	s19 =	sld [smem:$0x3FD0];
	(tm) =	ssettm $0x1  }
0x92: {  	s4 =	sld [smem:$0x3FFB];
	_ =	sdelay $0x3  }
0x93: {  	_ =	strace s4  }
0x94: {  	s4 =	sld [smem:$0x3FFC];
	_ =	sdelay $0x3  }
0x95: {  	_ =	strace s4  }
0x96: {  	s4 =	sld [smem:$0x3FFD];
	_ =	sdelay $0x3  }
0x97: {  	_ =	strace s4  }
0x98: {  	_ =	strace $0x8FFFFFFF  }
0x99: {  	s20 =	sld [smem:$0x3FDB];
	_ =	sdelay $0x1  }
0x9a: {  	s5 =	simm.s32 $_scs_section_size  }
0x9b: {  	s6 =	simm.s32 $_size__tile_overlayer_lowered;
	s7 =	simm.s32 $_tile_overlayer_lowered  }
0x9c: {  	s23 =	simm.s32 $0x1BFF;
	s22 =	sshll.u32 s7, $0x1;
	s4 =	sadd.s32 s5, s20  }
0x9d: {  	s8 =	simm.s32 $0x0;
	s21 =	sshll.u32 s6, $0x1;
	s6 =	sadd.s32 s22, s4  }
0x9e: {  	[timem:s8], [sflag:s23] =	dma.local [hbm:s6], s21  }
0x9f: {  	_ =	swait.ge [sflag:s23], s21  }
0xa0: {  	s5 =	ssub.s32 $0x0, s21;
	[sflag:s23] =	ssyncset.done $0x0  }
0xa1: {  	[sflag:s23] =	ssyncadd.s32 s5;
	_ =	sdelay $0x1  }
0xa2: {  	s24 =	simm.s32 $0x1B8B  }
0xa3: {  	_ =	swait.ge [sflag:s24], $0x1  }
0xa4: {  	[sflag:s24] =	ssyncset.done $0x0  }
0xa5: {  	s25 =	simm.s32 $0x1B8E;
	[sflag:s24] =	ssyncadd.s32 $0xFFFFFFFF  }
0xa6: {  	s26 =	simm.s32 $execute0_lowered;
	[smem:$0x3FD2] =	sst s25  }
0xa7: {  	s5 =	sshll.u32 s26, $0x1;
	_ =	strace $0x80000046;
	[dreg:$0x1] =	wrdreg $0xFFFFFFFF  }
0xa8: {  	s28 =	simm.s32 $_size_execute0_lowered;
	s4 =	sadd.s32 s4, s5;
	[dreg:$0x0] =	wrdreg $0x0  }
0xa9: {  	s5 =	sshll.u32 s28, $0x1;
	[dreg:$0x2] =	wrdreg s4  }
0xaa: {  	[dreg:$0x3] =	wrdreg s5  }
0xab: {  	[dreg:$0x4] =	wrdreg $0xC0  }
0xac: {  	_ =	task [dreg:s8], $0x5FFFF  }
0xad: {  	[dreg:$0x1] =	wrdreg $0xFFFFFFFF  }
0xae: {  	[dreg:$0x0] =	wrdreg $0x60  }
0xaf: {  	[dreg:$0x2] =	wrdreg s2  }
0xb0: {  	[dreg:$0x3] =	wrdreg s19  }
0xb1: {  	[dreg:$0x4] =	wrdreg $0x9  }
0xb2: {  	_ =	task.clear_ibuf [dreg:s8], $0x5FFFF;
	_ =	strace $0x90000046  }
0xb3: {  	s29 =	simm.s32 $0x9;
	_ =	strace $0x80000048  }
0xb4: {  	_ =	swait.ge [sflag:s29], $0x1  }
0xb5: {  	[sflag:s29] =	ssyncadd.s32 $0xFFFFFFFF  }
0xb6: {  	_ =	strace $0x90000048  }
0xb7: {  	_ =	sfence  }
0xb8: {  	s30 =	sld [smem:$0x0];
	_ =	sdelay $0x2  }
0xb9: {  	s31 =	sshll.u32 s1, $0xD;
	s1 =	sshrl.u32 s1, $0x2  }
0xba: {  	s3 =	sand.u32 $0x4000, s31;
	s1 =	sadd.s32 s1, s30  }
0xbb: {  	s0 =	sor.u32 s3, s0;
	s1 =	sshll.u32 s1, $0x11  }
0xbc: {  	s0 =	sor.u32 s1, s0  }
0xbd: {  	s0 =	sadd.s32 $0x8F2B, s0  }
0xbe: {  	[sflag:s0] =	ssyncadd.remote.s32 $0x1  }
0xbf: {  	_ =	sfence.sel $0xFFFF  }
0xc0: {  	[dreg:$0x0] =	wrdreg $0xFFFFFFFF;
	(pc) =	sbr.abs _section_cstart, $3  }
0xc1: {  	[dreg:$0x1] =	wrdreg $0xFFFFFFFF  }
0xc2: {  	_ =	task.clear_ibuf [dreg:s8], $0x2FFFF;
	_ =	strace $0x9FFFFFFF  }
0xc3: {  	(tm) =	ssettm $0x7FFFFFFF  }
tec
execute0_lowered:
.L_overlay_start_1:
0x0: {  	(tag) =	ssettag $0x1  }
0x1: {  	s1 =	srdreg.scid  }
0x2: {  	s0 =	stileid.u32;
	s5 =	sand.u32 $0x1, s1  }
0x3: {  	s8 =	sshll.u32 s0, $0xA;
	s2 =	sshll.u32 s5, $0x9  }
0x4: {  	s4 =	sor.u32 s2, s8  }
0x5: {  	s1 =	sor.u32 $0x80, s4  }
0x6: {  	v26 =	vimm.f32 $1.000000000e+00;
	v0 =	vmov s4;
	s9 =	sor.u32 $0x90, s4;
	s2 =	sor.u32 $0xA0, s4;
	v1 =	vmov s1  }
0x7: {  	s10 =	sor.u32 $0xB0, s4;
	s11 =	sor.u32 $0xC0, s4;
	s12 =	sor.u32 $0xD0, s4;
	v0 =	vshll.u32 v0, $0x3;
	v3 =	vmov s9;
	v4 =	vmov s2  }
0x8: {  	s13 =	sor.u32 $0xE0, s4;
	s14 =	sor.u32 $0xF0, s4;
	s15 =	sor.u32 $0x100, s4;
	v5 =	vmov s10;
	v6 =	vmov s11;
	v7 =	vmov s12  }
0x9: {  	s16 =	sor.u32 $0x110, s4;
	s17 =	sor.u32 $0x120, s4;
	s18 =	sor.u32 $0x130, s4;
	v8 =	vmov s13;
	v9 =	vmov s14;
	v10 =	vmov s15  }
0xa: {  	s19 =	sor.u32 $0x140, s4;
	s20 =	sor.u32 $0x150, s4;
	s21 =	sor.u32 $0x160, s4;
	v11 =	vmov s16;
	v12 =	vmov s17;
	v13 =	vmov s18  }
0xb: {  	s22 =	sor.u32 $0x180, s4;
	s23 =	sor.u32 $0x170, s4;
	s26 =	sor.u32 $0x1B0, s4;
	v14 =	vmov s19;
	v15 =	vmov s20;
	v16 =	vmov s21  }
0xc: {  	s28 =	sor.u32 $0x1C0, s4;
	s29 =	sor.u32 $0x1D0, s4;
	s30 =	sor.u32 $0x1E0, s4;
	v17 =	vmov s22;
	v18 =	vmov s23;
	v21 =	vmov s26  }
0xd: {  	s31 =	sor.u32 $0x1F0, s4;
	v22 =	vmov s28;
	v23 =	vmov s29;
	v24 =	vmov s30  }
0xe: {  	v25 =	vmov s31;
	v1 =	vshll.u32 v1, $0x3;
	v0 =	vbroadcast v0, $0x0  }
0xf: {  	v3 =	vshll.u32 v3, $0x3;
	v4 =	vshll.u32 v4, $0x3;
	v5 =	vshll.u32 v5, $0x3  }
0x10: {  	v6 =	vshll.u32 v6, $0x3;
	v7 =	vshll.u32 v7, $0x3;
	v8 =	vshll.u32 v8, $0x3  }
0x11: {  	v9 =	vshll.u32 v9, $0x3;
	v10 =	vshll.u32 v10, $0x3;
	v11 =	vshll.u32 v11, $0x3  }
0x12: {  	v12 =	vshll.u32 v12, $0x3;
	v13 =	vshll.u32 v13, $0x3;
	v14 =	vshll.u32 v14, $0x3  }
0x13: {  	v15 =	vshll.u32 v15, $0x3;
	v16 =	vshll.u32 v16, $0x3;
	v17 =	vshll.u32 v17, $0x3  }
0x14: {  	v18 =	vshll.u32 v18, $0x3;
	v21 =	vshll.u32 v21, $0x3;
	v22 =	vshll.u32 v22, $0x3  }
0x15: {  	v23 =	vshll.u32 v23, $0x3;
	v24 =	vshll.u32 v24, $0x3;
	v25 =	vshll.u32 v25, $0x3  }
0x16: {  	v2 =	vbroadcast v1, $0x0;
	v1 =	vlaneseq.u32;
	v3 =	vand.u32 $0xFFFFF400, v3  }
0x17: {  	v4 =	vand.u32 $0xFFFFF400, v4;
	v5 =	vand.u32 $0xFFFFF400, v5;
	v6 =	vand.u32 $0xFFFFF400, v6  }
0x18: {  	v7 =	vand.u32 $0xFFFFF400, v7;
	v8 =	vand.u32 $0xFFFFF400, v8;
	v9 =	vand.u32 $0xFFFFF400, v9  }
0x19: {  	v10 =	vbroadcast v10, $0x0;
	v11 =	vand.u32 $0xFFFFF800, v11;
	v12 =	vand.u32 $0xFFFFF800, v12  }
0x1a: {  	v13 =	vand.u32 $0xFFFFF800, v13;
	v14 =	vand.u32 $0xFFFFF800, v14;
	v15 =	vand.u32 $0xFFFFF800, v15  }
0x1b: {  	s24 =	sor.u32 $0x190, s4;
	v16 =	vand.u32 $0xFFFFF800, v16;
	v19 =	vbroadcast v17, $0x0;
	v3 =	vbroadcast v3, $0x0  }
0x1c: {  	v17 =	vmov s24;
	v4 =	vbroadcast v4, $0x0;
	v5 =	vbroadcast v5, $0x0  }
0x1d: {  	v18 =	vand.u32 $0xFFFFF800, v18;
	v6 =	vbroadcast v6, $0x0;
	v7 =	vbroadcast v7, $0x0  }
0x1e: {  	v21 =	vand.u32 $0xFFFFFC00, v21;
	v8 =	vbroadcast v8, $0x0;
	v9 =	vbroadcast v9, $0x0  }
0x1f: {  	v22 =	vand.u32 $0xFFFFFC00, v22;
	v11 =	vbroadcast v11, $0x0;
	v12 =	vbroadcast v12, $0x0  }
0x20: {  	v23 =	vand.u32 $0xFFFFFC00, v23;
	v13 =	vbroadcast v13, $0x0;
	v14 =	vbroadcast v14, $0x0  }
0x21: {  	v24 =	vand.u32 $0xFFFFFC00, v24;
	v15 =	vbroadcast v15, $0x0;
	v16 =	vbroadcast v16, $0x0  }
0x22: {  	v20 =	vshll.u32 v17, $0x3;
	v17 =	vbroadcast v18, $0x0;
	v21 =	vbroadcast v21, $0x0  }
0x23: {  	v25 =	vand.u32 $0xFFFFFC00, v25;
	v22 =	vbroadcast v22, $0x0;
	v23 =	vbroadcast v23, $0x0  }
0x24: {  	s6 =	rddreg [dreg:$0x0];
	s5 =	ssub.s32 $0x2, s5;
	v24 =	vbroadcast v24, $0x0;
	v25 =	vbroadcast v25, $0x0;
	v27 =	vor.u32 $0x10, v1  }
0x25: {  	s3 =	simm.s32 $0x0;
	s7 =	sshrl.u32 s5, $0x1;
	s25 =	sor.u32 $0x1A0, s4;
	v28 =	vor.u32 $0x20, v1;
	v29 =	vor.u32 $0x30, v1;
	v30 =	vor.u32 $0x40, v1  }
0x26: {  	[smem:$0x7FF] =	sst s3;
	s8 =	simm.s32 $0x400;
	s5 =	ssub.s32 s5, s7;
	v18 =	vor.u32 v1, v19;
	v19 =	vand.u32 $0xFFFFFC00, v20;
	v20 =	vmov s25  }
0x27: {  	s4 =	sshrl.u32 s4, $0x3;
	s7 =	simm.s32 $0x200;
	s2 =	rddreg [dreg:$0x1];
	v31 =	vor.u32 $0x50, v1;
	v32 =	vor.u32 $0x60, v1;
	v20 =	vshll.u32 v20, $0x3  }
0x28: {  	s1 =	rddreg [dreg:$0x2];
	_ =	strace $0x80000047;
	s4 =	sadd.s32 s6, s4;
	v33 =	vor.u32 $0x70, v1;
	v2 =	vor.u32 v1, v2;
	v20 =	vand.u32 $0xFFFFFC00, v20  }
0x29: {  	s5 =	smax.u32 s5, $0x1;
	s6 =	simm.s32 $0x2;
	s9 =	simm.s32 $0x1;
	v10 =	vor.u32 v1, v10;
	v19 =	vbroadcast v19, $0x0;
	v20 =	vbroadcast v20, $0x0  }
.LBB2_1:
0x2a: {  	[tilespmem:s3], [sflag:$0x2] =	stream.linear.gather [hbm4b:s4+s3], $0x200, $0x38;
	[tilespmem:$0x600] =	vst v63  }
0x2b: {  	_ =	swait.ge [sflag:s6], $0x200  }
0x2c: {  	[sflag:s6] =	ssyncset.done $0x0  }
0x2d: {  	[sflag:s6] =	ssyncadd.s32 $0xFFFFFE00  }
0x2e: {  	v34 =	vld [tilespmem:$0x0]  }
0x2f: {  	v35 =	vld [tilespmem:$0x10]  }
0x30: {  	v37 =	vld [tilespmem:$0x20]  }
0x31: {  	v38 =	vld [tilespmem:$0x30]  }
0x32: {  	v39 =	vld [tilespmem:$0x40]  }
0x33: {  	v41 =	vld [tilespmem:$0x50]  }
0x34: {  	v42 =	vld [tilespmem:$0x60]  }
0x35: {  	v63 =	vld [tilespmem:$0x70]  }
0x36: {  	v44 =	vld [tilespmem:$0x80];
	v36 =	vshll.u32 v34, $0xE;
	v34 =	vshll.u32 v34, $0x7  }
0x37: {  	v49 =	vld [tilespmem:$0x90];
	v56 =	vshll.u32 v35, $0xE;
	v35 =	vshll.u32 v35, $0x7;
	v40 =	vshll.u32 v37, $0xE  }
0x38: {  	v37 =	vshll.u32 v37, $0x7;
	v58 =	vshll.u32 v38, $0xE;
	v60 =	vshll.u32 v39, $0xE  }
0x39: {  	v38 =	vshll.u32 v38, $0x7;
	v39 =	vshll.u32 v39, $0x7;
	v62 =	vshll.u32 v41, $0xE  }
0x3a: {  	v41 =	vshll.u32 v41, $0x7;
	v43 =	vshll.u32 v42, $0xE;
	v42 =	vshll.u32 v42, $0x7  }
0x3b: {  	v50 =	vshll.u32 v63, $0xE;
	v46 =	vshll.u32 v44, $0x7;
	v51 =	vshll.u32 v44, $0xE  }
0x3c: {  	v55 =	vshll.u32 v49, $0xE;
	v36 =	vand.u32 $0xFFFE0000, v36;
	v34 =	vand.u32 $0x380, v34  }
0x3d: {  	v35 =	vand.u32 $0x380, v35;
	v57 =	vand.u32 $0xFFFE0000, v40;
	v37 =	vand.u32 $0x380, v37  }
0x3e: {  	v59 =	vand.u32 $0xFFFE0000, v58;
	v40 =	vand.u32 $0xFFFE0000, v60;
	v38 =	vand.u32 $0x380, v38  }
0x3f: {  	v39 =	vand.u32 $0x380, v39;
	v41 =	vand.u32 $0x380, v41;
	v43 =	vand.u32 $0xFFFE0000, v43  }
0x40: {  	v42 =	vand.u32 $0x380, v42;
	v52 =	vand.u32 $0x380, v46;
	v53 =	vand.u32 $0xFFFE0000, v51  }
0x41: {  	v60 =	vshll.u32 v49, $0x7;
	v36 =	vor.u32 v36, v0;
	v40 =	vadd.s32 v0, v40  }
0x42: {  	v48 =	vadd.s32 v0, v43;
	v54 =	vadd.s32 v52, v2;
	v34 =	vor.u32 v36, v34  }
0x43: {  	[tilespmem:$0x400] =	vst v26;
	v36 =	vand.u32 $0xFFFE0000, v56;
	v61 =	vor.u32 v39, v40;
	v39 =	vand.u32 $0xFFFE0000, v62  }
0x44: {  	[tilespmem:$0x410] =	vst v26;
	v40 =	vshll.u32 v63, $0x7;
	v62 =	vand.u32 $0x380, v60;
	v34 =	vor.u32 v1, v34  }
0x45: {  	[tilespmem:$0x420] =	vst v26;
	v46 =	vld [tilespmem:$0xB0];
	v36 =	vadd.s32 v0, v36;
	v39 =	vadd.s32 v0, v39;
	v40 =	vand.u32 $0x380, v40  }
0x46: {  	[tilespmem:$0x430] =	vst v26;
	v58 =	vld [tilespmem:$0xC0];
	v35 =	vor.u32 v35, v36;
	v36 =	vadd.s32 v0, v57;
	v39 =	vor.u32 v41, v39  }
0x47: {  	v41 =	vor.u32 v42, v48;
	v42 =	vand.u32 $0xFFFE0000, v50;
	[tilespmem:$0x200] =	vst v34;
	v34 =	vadd.s32 v53, v54  }
0x48: {  	v45 =	vld [tilespmem:$0xA0];
	[tilespmem:$0x440] =	vst v26;
	v57 =	vand.u32 $0xFFFE0000, v55;
	v35 =	vor.u32 v27, v35;
	v36 =	vor.u32 v37, v36  }
0x49: {  	[tilespmem:$0x450] =	vst v26;
	v37 =	vadd.s32 v0, v59;
	v39 =	vor.u32 v31, v39;
	v41 =	vor.u32 v32, v41  }
0x4a: {  	[tilespmem:$0x460] =	vst v26;
	v52 =	vld [tilespmem:$0xD0];
	v42 =	vadd.s32 v0, v42;
	v59 =	vadd.s32 v3, v57;
	v49 =	vshll.u32 v46, $0xE  }
0x4b: {  	[tilespmem:$0x470] =	vst v26;
	v53 =	vshll.u32 v46, $0x7;
	v54 =	vshll.u32 v58, $0xE;
	v58 =	vshll.u32 v58, $0x7  }
0x4c: {  	[tilespmem:$0x480] =	vst v26;
	v36 =	vor.u32 v28, v36;
	v37 =	vor.u32 v38, v37;
	v38 =	vor.u32 v30, v61  }
0x4d: {  	[tilespmem:$0x490] =	vst v26;
	v40 =	vor.u32 v40, v42;
	v61 =	vshll.u32 v45, $0xE;
	v45 =	vshll.u32 v45, $0x7  }
0x4e: {  	[tilespmem:$0x4A0] =	vst v26;
	v51 =	vand.u32 $0xFFFE0000, v49;
	v57 =	vand.u32 $0xFFFE0000, v54;
	v60 =	vand.u32 $0x380, v58  }
0x4f: {  	[tilespmem:$0x4B0] =	vst v26;
	v55 =	vld [tilespmem:$0xE0];
	v44 =	vshll.u32 v52, $0x7;
	v37 =	vor.u32 v29, v37;
	v56 =	vor.u32 v33, v40  }
0x50: {  	[tilespmem:$0x220] =	vst v36;
	v63 =	vand.u32 $0xFFFE0000, v61;
	v48 =	vand.u32 $0x380, v45;
	v36 =	vor.u32 v62, v59  }
0x51: {  	[tilespmem:$0x240] =	vst v38;
	v38 =	vadd.s32 v5, v51;
	v59 =	vadd.s32 v6, v57;
	v40 =	vshll.u32 v52, $0xE  }
0x52: {  	v46 =	vand.u32 $0x380, v44;
	v47 =	vadd.s32 v4, v63;
	[tilespmem:$0x270] =	vst v56;
	v56 =	vand.u32 $0x380, v53  }
0x53: {  	[tilespmem:$0x210] =	vst v35;
	v61 =	vld [tilespmem:$0xF0];
	v36 =	vor.u32 v27, v36;
	v42 =	vand.u32 $0xFFFE0000, v40;
	v50 =	vor.u32 v48, v47  }
0x54: {  	v52 =	vld [tilespmem:$0x110];
	[tilespmem:$0x230] =	vst v37;
	v35 =	vor.u32 v56, v38;
	v38 =	vor.u32 v60, v59;
	v45 =	vshll.u32 v55, $0xE  }
0x55: {  	[tilespmem:$0x290] =	vst v36;
	v36 =	vadd.s32 v7, v42;
	v53 =	vshll.u32 v55, $0x7;
	v37 =	vor.u32 v28, v50  }
0x56: {  	[tilespmem:$0x4C0] =	vst v26;
	v48 =	vld [tilespmem:$0x100];
	v62 =	vor.u32 v29, v35;
	v63 =	vor.u32 v30, v38;
	v47 =	vand.u32 $0xFFFE0000, v45  }
0x57: {  	[tilespmem:$0x280] =	vst v34;
	v56 =	vld [tilespmem:$0x120];
	v49 =	vor.u32 v46, v36;
	v54 =	vand.u32 $0x380, v53;
	v50 =	vadd.s32 v8, v47  }
0x58: {  	[tilespmem:$0x260] =	vst v41;
	v34 =	vor.u32 v31, v49;
	v51 =	vshll.u32 v61, $0xE;
	v41 =	vshll.u32 v61, $0x7  }
0x59: {  	v46 =	vld [tilespmem:$0x140];
	[tilespmem:$0x2B0] =	vst v62;
	v35 =	vor.u32 v54, v50;
	v62 =	vshll.u32 v52, $0xE;
	v38 =	vshll.u32 v52, $0x7  }
0x5a: {  	[tilespmem:$0x2A0] =	vst v37;
	v37 =	vand.u32 $0xFFFE0000, v51;
	v55 =	vand.u32 $0x380, v41;
	v58 =	vor.u32 v32, v35  }
0x5b: {  	[tilespmem:$0x2C0] =	vst v63;
	v63 =	vld [tilespmem:$0x130];
	v38 =	vand.u32 $0x380, v38;
	v37 =	vadd.s32 v9, v37;
	v60 =	vshll.u32 v48, $0x7  }
0x5c: {  	[tilespmem:$0x4D0] =	vst v26;
	v61 =	vshll.u32 v48, $0xE;
	v45 =	vshll.u32 v56, $0xE;
	v47 =	vshll.u32 v56, $0x7  }
0x5d: {  	[tilespmem:$0x2D0] =	vst v34;
	v57 =	vor.u32 v55, v37;
	v36 =	vand.u32 $0x380, v60;
	v34 =	vand.u32 $0xFFFE0000, v61  }
0x5e: {  	[tilespmem:$0x4E0] =	vst v26;
	v49 =	vld [tilespmem:$0x150];
	v37 =	vand.u32 $0xFFFE0000, v62;
	v40 =	vand.u32 $0x380, v47;
	v55 =	vshll.u32 v46, $0xE  }
0x5f: {  	[tilespmem:$0x4F0] =	vst v26;
	v59 =	vor.u32 v33, v57;
	v36 =	vadd.s32 v36, v10;
	v44 =	vadd.s32 v11, v37  }
0x60: {  	[tilespmem:$0x500] =	vst v26;
	v56 =	vld [tilespmem:$0x160];
	v48 =	vshll.u32 v63, $0xE;
	v54 =	vshll.u32 v63, $0x7;
	v37 =	vshll.u32 v46, $0x7  }
0x61: {  	[tilespmem:$0x2E0] =	vst v58;
	v58 =	vld [tilespmem:$0x170];
	v34 =	vadd.s32 v34, v36;
	v36 =	vand.u32 $0xFFFE0000, v45;
	v35 =	vor.u32 v38, v44  }
0x62: {  	[tilespmem:$0x510] =	vst v26;
	v52 =	vand.u32 $0xFFFE0000, v48;
	v38 =	vand.u32 $0xFFFE0000, v55;
	v37 =	vand.u32 $0x380, v37  }
0x63: {  	[tilespmem:$0x2F0] =	vst v59;
	v59 =	vshll.u32 v49, $0xE;
	v36 =	vadd.s32 v12, v36;
	v50 =	vor.u32 v27, v35  }
0x64: {  	[tilespmem:$0x520] =	vst v26;
	v53 =	vadd.s32 v13, v52;
	v57 =	vadd.s32 v14, v38;
	v36 =	vor.u32 v40, v36  }
0x65: {  	[tilespmem:$0x530] =	vst v26;
	v40 =	vshll.u32 v49, $0x7;
	v62 =	vshll.u32 v56, $0xE;
	v44 =	vshll.u32 v56, $0x7  }
0x66: {  	v45 =	vld [tilespmem:$0x180];
	[tilespmem:$0x310] =	vst v50;
	v47 =	vshll.u32 v58, $0xE;
	v50 =	vshll.u32 v58, $0x7;
	v51 =	vor.u32 v28, v36  }
0x67: {  	[tilespmem:$0x540] =	vst v26;
	v48 =	vld [tilespmem:$0x190];
	v36 =	vand.u32 $0x380, v54;
	v61 =	vand.u32 $0x380, v40;
	v43 =	vand.u32 $0xFFFE0000, v62  }
0x68: {  	[tilespmem:$0x300] =	vst v34;
	v46 =	vand.u32 $0x380, v44;
	v49 =	vand.u32 $0xFFFE0000, v47;
	v34 =	vor.u32 v36, v53  }
0x69: {  	[tilespmem:$0x550] =	vst v26;
	v36 =	vor.u32 v37, v57;
	v37 =	vand.u32 $0xFFFE0000, v59;
	v35 =	vadd.s32 v16, v43  }
0x6a: {  	[tilespmem:$0x560] =	vst v26;
	v34 =	vor.u32 v29, v34;
	v36 =	vor.u32 v30, v36;
	v60 =	vadd.s32 v15, v37  }
0x6b: {  	[tilespmem:$0x570] =	vst v26;
	v35 =	vor.u32 v46, v35;
	v37 =	vand.u32 $0x380, v50;
	v55 =	vshll.u32 v45, $0xE  }
0x6c: {  	[tilespmem:$0x320] =	vst v51;
	v53 =	vld [tilespmem:$0x1A0];
	v57 =	vshll.u32 v45, $0x7;
	v58 =	vshll.u32 v48, $0xE;
	v63 =	vor.u32 v61, v60  }
0x6d: {  	v59 =	vld [tilespmem:$0x1B0];
	[tilespmem:$0x340] =	vst v36;
	v36 =	vadd.s32 v17, v49;
	v51 =	vor.u32 v32, v35;
	v56 =	vand.u32 $0xFFFE0000, v55  }
0x6e: {  	[tilespmem:$0x330] =	vst v34;
	v35 =	vand.u32 $0x380, v57;
	v60 =	vshll.u32 v48, $0x7;
	v34 =	vor.u32 v31, v63  }
0x6f: {  	[tilespmem:$0x580] =	vst v26;
	v52 =	vor.u32 v37, v36;
	v37 =	vand.u32 $0xFFFE0000, v58;
	v35 =	vadd.s32 v35, v18  }
0x70: {  	[tilespmem:$0x250] =	vst v39;
	v39 =	vand.u32 $0x380, v60;
	v63 =	vld [tilespmem:$0x1C0];
	v54 =	vor.u32 v33, v52;
	v37 =	vadd.s32 v19, v37  }
0x71: {  	[tilespmem:$0x350] =	vst v34;
	v34 =	vadd.s32 v56, v35;
	v61 =	vor.u32 v39, v37;
	v62 =	vshll.u32 v53, $0xE  }
0x72: {  	[tilespmem:$0x590] =	vst v26;
	v45 =	vshll.u32 v53, $0x7;
	v46 =	vshll.u32 v59, $0xE;
	v38 =	vshll.u32 v59, $0x7  }
0x73: {  	[tilespmem:$0x5A0] =	vst v26;
	v47 =	vld [tilespmem:$0x1D0];
	v43 =	vand.u32 $0xFFFE0000, v62;
	v35 =	vand.u32 $0x380, v45;
	v36 =	vand.u32 $0xFFFE0000, v46  }
0x74: {  	[tilespmem:$0x5B0] =	vst v26;
	v56 =	vld [tilespmem:$0x1E0];
	v49 =	vand.u32 $0x380, v38;
	v44 =	vadd.s32 v20, v43;
	v48 =	vadd.s32 v21, v36  }
0x75: {  	[tilespmem:$0x380] =	vst v34;
	v34 =	vor.u32 v35, v44;
	v35 =	vor.u32 v49, v48;
	v50 =	vshll.u32 v63, $0xE  }
0x76: {  	[tilespmem:$0x370] =	vst v54;
	v54 =	vshll.u32 v63, $0x7;
	v34 =	vor.u32 v28, v34;
	v52 =	vand.u32 $0xFFFE0000, v50  }
0x77: {  	[tilespmem:$0x360] =	vst v51;
	v51 =	vor.u32 v29, v35;
	v35 =	vand.u32 $0x380, v54;
	v53 =	vadd.s32 v22, v52  }
0x78: {  	v55 =	vshll.u32 v47, $0xE;
	v42 =	vor.u32 v27, v61;
	v61 =	vld [tilespmem:$0x1F0];
	[tilespmem:$0x3A0] =	vst v34;
	v34 =	vor.u32 v35, v53  }
0x79: {  	[tilespmem:$0x5C0] =	vst v26;
	v37 =	vshll.u32 v47, $0x7;
	v60 =	vshll.u32 v56, $0xE;
	v34 =	vor.u32 v30, v34  }
0x7a: {  	v36 =	vand.u32 $0xFFFE0000, v55;
	v62 =	vshll.u32 v56, $0x7;
	[tilespmem:$0x3C0] =	vst v34;
	v34 =	vand.u32 $0xFFFE0000, v60  }
0x7b: {  	[tilespmem:$0x5D0] =	vst v26;
	v57 =	vadd.s32 v23, v36;
	v36 =	vand.u32 $0x380, v62;
	v34 =	vadd.s32 v24, v34  }
0x7c: {  	[tilespmem:$0x5E0] =	vst v26;
	v58 =	vand.u32 $0x380, v37;
	v34 =	vor.u32 v36, v34  }
0x7d: {  	[tilespmem:$0x5F0] =	vst v26;
	v35 =	vor.u32 v58, v57;
	v63 =	vshll.u32 v61, $0xE;
	v34 =	vor.u32 v32, v34  }
0x7e: {  	v59 =	vor.u32 v31, v35;
	v35 =	vshll.u32 v61, $0x7;
	[tilespmem:$0x3E0] =	vst v34;
	v34 =	vand.u32 $0xFFFE0000, v63  }
0x7f: {  	[tilespmem:$0x390] =	vst v42;
	v35 =	vand.u32 $0x380, v35;
	v34 =	vadd.s32 v25, v34  }
0x80: {  	[tilespmem:$0x3B0] =	vst v51;
	v34 =	vor.u32 v35, v34  }
0x81: {  	p0 =	sne.s32 s5, $0x1;
	[tilespmem:$0x3D0] =	vst v59;
	v34 =	vor.u32 v33, v34  }
.Ltmp0:
0x82: {  	[tilespmem:$0x3F0] =	vst v34;
	(pc) =	sbr.rel @p0 .LBB2_1-.Ltmp0, $4  }
0x83: {  	[hbm4b:s2+s7] =	stream.indirect.scatter [tilespmem:s8], [sflag:$0x1], $0x1, s7, s7, $0xb8;
	[tilespmem:$0x600] =	vst v63  }
0x84: {  	_ =	swait.ge [sflag:s9], $0x200  }
0x85: {  	[sflag:s9] =	ssyncset.done $0x0  }
0x86: {  	s5 =	sadd.s32 $0xFFFFFFFF, s5;
	[sflag:s9] =	ssyncadd.s32 $0xFFFFFE00  }
0x87: {  	_ =	sfence.sel $0x180000  }
0x88: {  	[bflag:$0x0] =	sbarrier.arrive $0xFFFF  }
0x89: {  	p0 =	sne.s32 s0, $0x0;
	_ =	strace $0x90000047  }
0x8a: {  	s0 =	sadd.s32 @!p0 $0x100000, s1;
	[bflag:$0x2] =	sbarrier.arrive $0xFFFF  }
0x8b: {  	[sflag:s0] =	ssyncadd.tile.s32 @!p0 $0x1;
	_ =	shalt  }
.Lfunc_end2:
_tile_overlayer_lowered:
.L_overlay_start_2:
0x8c: {  	(tag) =	ssettag $0x2  }
0x8d: {  	s0 =	rddreg [dreg:$0x0];
	s2 =	stileid.u32  }
0x8e: {  	s1 =	rddreg [dreg:$0x1];
	p0 =	sne.s32 s2, $0x0  }
0x8f: {  	s3 =	rddreg [dreg:$0x2];
	[bflag:$0x3] =	sbarrier.arrive $0xFFFF;
	s2 =	simm.s32 @!p0 $0x1C02  }
0x90: {  	[timem:s3], [sflag:s2] =	dma.local @!p0 [hbm:s0], s1  }
0x91: {  	s0 =	simm.s32 @!p0 $0x2  }
0x92: {  	_ =	swait.ge @!p0 [sflag:s0], s1  }
0x93: {  	s1 =	ssub.s32 @!p0 $0x0, s1;
	[sflag:s0] =	ssyncset.done @!p0 $0x0  }
0x94: {  	[sflag:s0] =	ssyncadd.s32 @!p0 s1  }
0x95: {  	[bflag:$0x3] =	sbarrier.arrive $0xFFFF  }
0x96: {  	_ =	shalt  }

</sc_bundles>
